<compile_context>
chip_gen: v7x
topology: tpu7x:2x2x1
jax: 0.10.2.dev20260603
libtpu: 0.0.44.dev20260713+nightly
codegen_flags: <defaults>
</compile_context>

<pallas_src>
import functools

import jax
import jax.numpy as jnp
from jax import lax
from jax.experimental import pallas as pl
from jax.experimental.pallas import tpu as pltpu
from jax.experimental.pallas import tpu_sc as plsc

_B = 16384
_F = 26
_D = 16
_N = _B * _F

_INFO = plsc.get_sparse_core_info()
_NC = _INFO.num_cores
_NS = _INFO.num_subcores
_NW = _NC * _NS
_PER_W = _N // _NW
_CHUNK = 832
_NCHUNK = _PER_W // _CHUNK
_NPAIR = _NCHUNK // 2
_LANES = 16


def _sc_kernel(idx_hbm, emb_hbm, mi_hbm, ms_hbm, mj_hbm,
               o0_hbm, o1_hbm, o2_hbm,
               idx0, rows0, wi0, ws0, wj0,
               idx1, rows1, wi1, ws1, wj1,
               oa0, oa1, oa2, ob0, ob1, ob2,
               sem_g0, sem_g1, sem_w0, sem_w1):
    wid = lax.axis_index("s") * _NC + lax.axis_index("c")
    base = wid * _PER_W

    g0 = (idx0, rows0, wi0, ws0, wj0, sem_g0)
    g1 = (idx1, rows1, wi1, ws1, wj1, sem_g1)
    o0 = (oa0, oa1, oa2, sem_w0)
    o1 = (ob0, ob1, ob2, sem_w1)

    def issue(c, g):
        idx_v, rows_v, wi_v, ws_v, wj_v, sem = g
        off = base + c * _CHUNK
        pltpu.sync_copy(idx_hbm.at[pl.ds(off, _CHUNK)], idx_v)
        pltpu.async_copy(emb_hbm.at[idx_v], rows_v, sem)
        pltpu.async_copy(mi_hbm.at[idx_v], wi_v, sem)
        pltpu.async_copy(ms_hbm.at[idx_v], ws_v, sem)
        pltpu.async_copy(mj_hbm.at[idx_v], wj_v, sem)

    def wait_gathers(g):
        idx_v, rows_v, wi_v, ws_v, wj_v, sem = g
        pltpu.make_async_copy(emb_hbm.at[idx_v], rows_v, sem).wait()
        pltpu.make_async_copy(mi_hbm.at[idx_v], wi_v, sem).wait()
        pltpu.make_async_copy(ms_hbm.at[idx_v], ws_v, sem).wait()
        pltpu.make_async_copy(mj_hbm.at[idx_v], wj_v, sem).wait()

    def fire_writes(c, o):
        e0, e1, e2, sem = o
        off = base + c * _CHUNK
        pltpu.async_copy(e0, o0_hbm.at[pl.ds(off, _CHUNK)], sem)
        pltpu.async_copy(e1, o1_hbm.at[pl.ds(off, _CHUNK)], sem)
        pltpu.async_copy(e2, o2_hbm.at[pl.ds(off, _CHUNK)], sem)

    def wait_writes(o):
        e0, e1, e2, sem = o
        pltpu.make_async_copy(e0, o0_hbm.at[pl.ds(base, _CHUNK)], sem).wait()
        pltpu.make_async_copy(e1, o1_hbm.at[pl.ds(base, _CHUNK)], sem).wait()
        pltpu.make_async_copy(e2, o2_hbm.at[pl.ds(base, _CHUNK)], sem).wait()

    def compute(g, o):
        idx_v, rows_v, wi_v, ws_v, wj_v, _ = g
        e0, e1, e2, _ = o

        def blk_body(j, carry2):
            base_r = pl.multiple_of(j * _LANES, _LANES)
            sl = pl.ds(base_r, _LANES)
            wi = wi_v[sl]
            ws = ws_v[sl]
            wj = wj_v[sl]
            s_i = 2.0 / (1.0 + jnp.exp(-wi))
            s_s = 2.0 / (1.0 + jnp.exp(-ws))
            s_j = 2.0 / (1.0 + jnp.exp(-wj))
            gt = s_s > 1.0
            m1 = jnp.where(gt, s_s, s_i)
            m2 = jnp.where(gt, s_s, s_j)
            for l in range(_LANES):
                r = base_r + l
                e = rows_v[r, :]
                e0[r, :] = e * s_s[l]
                e1[r, :] = e * m1[l]
                e2[r, :] = e * m2[l]
            return carry2

        lax.fori_loop(0, _CHUNK // _LANES, blk_body, 0, unroll=False)

    issue(0, g0)

    def pair_body(i, carry):
        c0 = i * 2
        c1 = c0 + 1
        issue(c1, g1)
        @pl.when(i >= 1)
        def _():
            wait_writes(o0)
        wait_gathers(g0)
        compute(g0, o0)
        fire_writes(c0, o0)
        @pl.when(i + 1 < _NPAIR)
        def _():
            issue(c0 + 2, g0)
        @pl.when(i >= 1)
        def _():
            wait_writes(o1)
        wait_gathers(g1)
        compute(g1, o1)
        fire_writes(c1, o1)
        return carry

    lax.fori_loop(0, _NPAIR, pair_body, 0, unroll=False)
    wait_writes(o0)
    wait_writes(o1)


@jax.jit
def _run(idx, embedding, mi, ms, mj):
    out_sd = jax.ShapeDtypeStruct((_N, _D), jnp.float32)
    gset = [
        pltpu.VMEM((_CHUNK,), jnp.int32),
        pltpu.VMEM((_CHUNK, _D), jnp.float32),
        pltpu.VMEM((_CHUNK,), jnp.float32),
        pltpu.VMEM((_CHUNK,), jnp.float32),
        pltpu.VMEM((_CHUNK,), jnp.float32),
    ]
    oset = [pltpu.VMEM((_CHUNK, _D), jnp.float32)] * 3
    f = pl.kernel(
        _sc_kernel,
        out_type=(out_sd, out_sd, out_sd),
        mesh=plsc.VectorSubcoreMesh(core_axis_name="c", subcore_axis_name="s"),
        compiler_params=pltpu.CompilerParams(use_tc_tiling_on_sc=False),
        scratch_types=gset + gset + oset + oset + [
            pltpu.SemaphoreType.DMA,
            pltpu.SemaphoreType.DMA,
            pltpu.SemaphoreType.DMA,
            pltpu.SemaphoreType.DMA,
        ],
    )
    return f(idx, embedding, mi, ms, mj)


def kernel(x, embedding, mask_weight_i, mask_weight_s, mask_weight_j):
    idx = x.reshape(-1)
    mi = mask_weight_i.reshape(-1)
    ms = mask_weight_s.reshape(-1)
    mj = mask_weight_j.reshape(-1)
    o0, o1, o2 = _run(idx, embedding, mi, ms, mj)
    shape = (_B, _F, _D)
    return (o0.reshape(shape), o1.reshape(shape), o2.reshape(shape))

# --- scband reference (transcript-rebuilt; emitter-appended) ---
"""Pipeline reference for scband-mask-embedding-64484638982525 (READ-ONLY COPY).

The authoritative reference and input builder live on the scoring server;
editing this copy changes nothing except your own understanding.
"""

import jax, jax.numpy as jnp
import numpy as np

FEATURE_NUM = 1000000
LATENT_DIM = 16
MASK_INIT = 0.0
MASK_SCALING = 1.0
BATCH = 16384
FIELDS = 26


@jax.custom_vjp
def lbsign(x):
    return jnp.sign(x)

def _lbsign_fwd(x):
    return jnp.sign(x), None

def _lbsign_bwd(_, g):
    return (jnp.clip(g, -1.0, 1.0),)

lbsign.defvjp(_lbsign_fwd, _lbsign_bwd)


def _sigmoid_scalar(v):
    return float(1.0 / (1.0 + np.exp(-v)))


def setup_inputs(seed: int = 0) -> dict:
    key = jax.random.key(seed)
    k1, k2 = jax.random.split(key)
    x = jax.random.randint(k1, (BATCH, FIELDS), 0, FEATURE_NUM, dtype=jnp.int32)
    # xavier_uniform init for embedding [feature_num, latent_dim]
    limit = float(np.sqrt(6.0 / (FEATURE_NUM + LATENT_DIM)))
    embedding = jax.random.uniform(k2, (FEATURE_NUM, LATENT_DIM), minval=-limit, maxval=limit, dtype=jnp.float32)
    # mask weights initialized to constant mask_weight_init_value (0.0)
    mask_weight_i = jnp.full((FEATURE_NUM, 1), MASK_INIT, dtype=jnp.float32)
    mask_weight_s = jnp.full((FEATURE_NUM, 1), MASK_INIT, dtype=jnp.float32)
    mask_weight_j = jnp.full((FEATURE_NUM, 1), MASK_INIT, dtype=jnp.float32)
    return {
        'x': x,
        'embedding': embedding,
        'mask_weight_i': mask_weight_i,
        'mask_weight_s': mask_weight_s,
        'mask_weight_j': mask_weight_j,
    }


def reference(x, embedding, mask_weight_i, mask_weight_s, mask_weight_j):
    temp = 1.0
    thre = 1.0
    scaling = MASK_SCALING * (1.0 / _sigmoid_scalar(MASK_INIT))
    # embedding gathers
    embed = jnp.take(embedding, x, axis=0)            # [B, F, D]
    mwi = jnp.take(mask_weight_i, x, axis=0)          # [B, F, 1]
    mws = jnp.take(mask_weight_s, x, axis=0)
    mwj = jnp.take(mask_weight_j, x, axis=0)
    # ticket=False branch
    mask_i = scaling * jax.nn.sigmoid(temp * mwi)
    mask_s = scaling * jax.nn.sigmoid(temp * mws)
    mask_j = scaling * jax.nn.sigmoid(temp * mwj)
    g_s = lbsign(jax.nn.relu(mask_s - thre))
    mask1 = mask_s * g_s + mask_i * (1.0 - g_s)
    mask2 = mask_s * g_s + mask_j * (1.0 - g_s)
    return (embed * mask_s, embed * mask1, embed * mask2)

if __name__ == "__main__":
    import jax
    _d = setup_inputs()
    print(jax.jit(kernel)(*tuple(_d.values())))

</pallas_src>

<mosaic_0001>
#map = affine_map<(d0, d1) -> (0)>
#map1 = affine_map<(d0, d1) -> (0, 0)>
module attributes {stable_mosaic.version = 14 : i64} {
  func.func @_sc_kernel(%arg0: i32, %arg1: i32, %arg2: memref<425984xi32, #tpu.memory_space<hbm>>, %arg3: memref<1000000x16xf32, #tpu.memory_space<hbm>>, %arg4: memref<1000000xf32, #tpu.memory_space<hbm>>, %arg5: memref<1000000xf32, #tpu.memory_space<hbm>>, %arg6: memref<1000000xf32, #tpu.memory_space<hbm>>, %arg7: memref<425984x16xf32, #tpu.memory_space<hbm>>, %arg8: memref<425984x16xf32, #tpu.memory_space<hbm>>, %arg9: memref<425984x16xf32, #tpu.memory_space<hbm>>, %arg10: memref<832xi32, #tpu.memory_space<vmem>>, %arg11: memref<832x16xf32, #tpu.memory_space<vmem>>, %arg12: memref<832xf32, #tpu.memory_space<vmem>>, %arg13: memref<832xf32, #tpu.memory_space<vmem>>, %arg14: memref<832xf32, #tpu.memory_space<vmem>>, %arg15: memref<832xi32, #tpu.memory_space<vmem>>, %arg16: memref<832x16xf32, #tpu.memory_space<vmem>>, %arg17: memref<832xf32, #tpu.memory_space<vmem>>, %arg18: memref<832xf32, #tpu.memory_space<vmem>>, %arg19: memref<832xf32, #tpu.memory_space<vmem>>, %arg20: memref<832x16xf32, #tpu.memory_space<vmem>>, %arg21: memref<832x16xf32, #tpu.memory_space<vmem>>, %arg22: memref<832x16xf32, #tpu.memory_space<vmem>>, %arg23: memref<832x16xf32, #tpu.memory_space<vmem>>, %arg24: memref<832x16xf32, #tpu.memory_space<vmem>>, %arg25: memref<832x16xf32, #tpu.memory_space<vmem>>, %arg26: memref<!tpu.dma_semaphore, #tpu.memory_space<semaphore_mem>>, %arg27: memref<!tpu.dma_semaphore, #tpu.memory_space<semaphore_mem>>, %arg28: memref<!tpu.dma_semaphore, #tpu.memory_space<semaphore_mem>>, %arg29: memref<!tpu.dma_semaphore, #tpu.memory_space<semaphore_mem>>) attributes {dimension_semantics = [#tpu.dimension_semantics<core_parallel>, #tpu.dimension_semantics<subcore_parallel>], iteration_bounds = array<i64: 2, 16>, scalar_prefetch = 0 : i64, scratch_operands = 20 : i64, tpu.core_type = #tpu.core_type<sc_vector_subcore>, window_params = [{transform_indices = #map}, {transform_indices = #map1}, {transform_indices = #map}, {transform_indices = #map}, {transform_indices = #map}, {transform_indices = #map1}, {transform_indices = #map1}, {transform_indices = #map1}]} {
    %mul3A = arith.constant 2 : i32
    %mul3A_0 = arith.muli %arg1, %mul3A : i32
    %add3A = arith.addi %mul3A_0, %arg0 : i32
    %mul3A_1 = arith.constant 13312 : i32
    %mul3A_2 = arith.muli %add3A, %mul3A_1 : i32
    %add3A_3 = arith.constant 0 : i32
    %add3A_4 = arith.addi %mul3A_2, %add3A_3 : i32
    "tpu.region"() ({
      %run_scoped3A = tpu.sem_alloc : memref<!tpu.dma_semaphore, #tpu.memory_space<semaphore_mem>>
      %dma_start3A_41 = tpu.memref_slice %arg2[%add3A_4] : memref<425984xi32, #tpu.memory_space<hbm>> -> memref<832xi32, #tpu.memory_space<hbm>>
      %dma_start3A_42 = tpu.memref_slice %arg2[%add3A_4] : memref<425984xi32, #tpu.memory_space<hbm>> -> memref<832xi32, #tpu.memory_space<hbm>>
      tpu.enqueue_dma source(%dma_start3A_42 : memref<832xi32, #tpu.memory_space<hbm>>) target(%arg10 : memref<832xi32, #tpu.memory_space<vmem>>) target_semaphore(%run_scoped3A : memref<!tpu.dma_semaphore, #tpu.memory_space<semaphore_mem>>)
      %dma_wait3A_43 = tpu.memref_slice %arg2[%add3A_4] : memref<425984xi32, #tpu.memory_space<hbm>> -> memref<832xi32, #tpu.memory_space<hbm>>
      %dma_wait3A_44 = tpu.memref_slice %arg2[%add3A_4] : memref<425984xi32, #tpu.memory_space<hbm>> -> memref<832xi32, #tpu.memory_space<hbm>>
      tpu.wait_dma2 semaphore(%run_scoped3A : memref<!tpu.dma_semaphore, #tpu.memory_space<semaphore_mem>>) src(%dma_wait3A_44 : memref<832xi32, #tpu.memory_space<hbm>>) dst(%arg10 : memref<832xi32, #tpu.memory_space<vmem>>)
      tpu.yield
    }) : () -> ()
    %dma_start3A = arith.constant 0 : i32
    %dma_start3A_5 = arith.constant 0 : i32
    %dma_start3A_6 = tpu.memref_slice %arg3[%dma_start3A, %dma_start3A_5] : memref<1000000x16xf32, #tpu.memory_space<hbm>> -> memref<1000000x16xf32, #tpu.memory_space<hbm>>
    tpu.enqueue_indirect_dma source(%dma_start3A_6 : memref<1000000x16xf32, #tpu.memory_space<hbm>>) target(%arg11 : memref<832x16xf32, #tpu.memory_space<vmem>>) offsets(%arg10 : memref<832xi32, #tpu.memory_space<vmem>>) semaphore(%arg26 : memref<!tpu.dma_semaphore, #tpu.memory_space<semaphore_mem>>)
    %dma_start3A_7 = arith.constant 0 : i32
    %dma_start3A_8 = tpu.memref_slice %arg4[%dma_start3A_7] : memref<1000000xf32, #tpu.memory_space<hbm>> -> memref<1000000xf32, #tpu.memory_space<hbm>>
    tpu.enqueue_indirect_dma source(%dma_start3A_8 : memref<1000000xf32, #tpu.memory_space<hbm>>) target(%arg12 : memref<832xf32, #tpu.memory_space<vmem>>) offsets(%arg10 : memref<832xi32, #tpu.memory_space<vmem>>) semaphore(%arg26 : memref<!tpu.dma_semaphore, #tpu.memory_space<semaphore_mem>>)
    %dma_start3A_9 = arith.constant 0 : i32
    %dma_start3A_10 = tpu.memref_slice %arg5[%dma_start3A_9] : memref<1000000xf32, #tpu.memory_space<hbm>> -> memref<1000000xf32, #tpu.memory_space<hbm>>
    tpu.enqueue_indirect_dma source(%dma_start3A_10 : memref<1000000xf32, #tpu.memory_space<hbm>>) target(%arg13 : memref<832xf32, #tpu.memory_space<vmem>>) offsets(%arg10 : memref<832xi32, #tpu.memory_space<vmem>>) semaphore(%arg26 : memref<!tpu.dma_semaphore, #tpu.memory_space<semaphore_mem>>)
    %dma_start3A_11 = arith.constant 0 : i32
    %dma_start3A_12 = tpu.memref_slice %arg6[%dma_start3A_11] : memref<1000000xf32, #tpu.memory_space<hbm>> -> memref<1000000xf32, #tpu.memory_space<hbm>>
    tpu.enqueue_indirect_dma source(%dma_start3A_12 : memref<1000000xf32, #tpu.memory_space<hbm>>) target(%arg14 : memref<832xf32, #tpu.memory_space<vmem>>) offsets(%arg10 : memref<832xi32, #tpu.memory_space<vmem>>) semaphore(%arg26 : memref<!tpu.dma_semaphore, #tpu.memory_space<semaphore_mem>>)
    %scan3A = arith.constant 0 : i32
    %scan3A_13 = arith.constant 0 : i32
    %scan3A_14 = arith.constant 8 : i32
    %scan3A_15 = arith.addi %scan3A_13, %scan3A_14 : i32
    %scan3A_16 = arith.constant 1 : i32
    scf.for %scan3A_41 = %scan3A_13 to %scan3A_15 step %scan3A_16  : i32 {
      %mul3A_42 = arith.constant 2 : i32
      %mul3A_43 = arith.muli %scan3A_41, %mul3A_42 : i32
      %add3A_44 = arith.constant 1 : i32
      %add3A_45 = arith.addi %mul3A_43, %add3A_44 : i32
      %mul3A_46 = arith.constant 832 : i32
      %mul3A_47 = arith.muli %add3A_45, %mul3A_46 : i32
      %add3A_48 = arith.addi %mul3A_2, %mul3A_47 : i32
      "tpu.region"() ({
        %run_scoped3A = tpu.sem_alloc : memref<!tpu.dma_semaphore, #tpu.memory_space<semaphore_mem>>
        %dma_start3A_131 = tpu.memref_slice %arg2[%add3A_48] : memref<425984xi32, #tpu.memory_space<hbm>> -> memref<832xi32, #tpu.memory_space<hbm>>
        %dma_start3A_132 = tpu.memref_slice %arg2[%add3A_48] : memref<425984xi32, #tpu.memory_space<hbm>> -> memref<832xi32, #tpu.memory_space<hbm>>
        tpu.enqueue_dma source(%dma_start3A_132 : memref<832xi32, #tpu.memory_space<hbm>>) target(%arg15 : memref<832xi32, #tpu.memory_space<vmem>>) target_semaphore(%run_scoped3A : memref<!tpu.dma_semaphore, #tpu.memory_space<semaphore_mem>>)
        %dma_wait3A_133 = tpu.memref_slice %arg2[%add3A_48] : memref<425984xi32, #tpu.memory_space<hbm>> -> memref<832xi32, #tpu.memory_space<hbm>>
        %dma_wait3A_134 = tpu.memref_slice %arg2[%add3A_48] : memref<425984xi32, #tpu.memory_space<hbm>> -> memref<832xi32, #tpu.memory_space<hbm>>
        tpu.wait_dma2 semaphore(%run_scoped3A : memref<!tpu.dma_semaphore, #tpu.memory_space<semaphore_mem>>) src(%dma_wait3A_134 : memref<832xi32, #tpu.memory_space<hbm>>) dst(%arg15 : memref<832xi32, #tpu.memory_space<vmem>>)
        tpu.yield
      }) : () -> ()
      %dma_start3A_49 = arith.constant 0 : i32
      %dma_start3A_50 = arith.constant 0 : i32
      %dma_start3A_51 = tpu.memref_slice %arg3[%dma_start3A_49, %dma_start3A_50] : memref<1000000x16xf32, #tpu.memory_space<hbm>> -> memref<1000000x16xf32, #tpu.memory_space<hbm>>
      tpu.enqueue_indirect_dma source(%dma_start3A_51 : memref<1000000x16xf32, #tpu.memory_space<hbm>>) target(%arg16 : memref<832x16xf32, #tpu.memory_space<vmem>>) offsets(%arg15 : memref<832xi32, #tpu.memory_space<vmem>>) semaphore(%arg27 : memref<!tpu.dma_semaphore, #tpu.memory_space<semaphore_mem>>)
      %dma_start3A_52 = arith.constant 0 : i32
      %dma_start3A_53 = tpu.memref_slice %arg4[%dma_start3A_52] : memref<1000000xf32, #tpu.memory_space<hbm>> -> memref<1000000xf32, #tpu.memory_space<hbm>>
      tpu.enqueue_indirect_dma source(%dma_start3A_53 : memref<1000000xf32, #tpu.memory_space<hbm>>) target(%arg17 : memref<832xf32, #tpu.memory_space<vmem>>) offsets(%arg15 : memref<832xi32, #tpu.memory_space<vmem>>) semaphore(%arg27 : memref<!tpu.dma_semaphore, #tpu.memory_space<semaphore_mem>>)
      %dma_start3A_54 = arith.constant 0 : i32
      %dma_start3A_55 = tpu.memref_slice %arg5[%dma_start3A_54] : memref<1000000xf32, #tpu.memory_space<hbm>> -> memref<1000000xf32, #tpu.memory_space<hbm>>
      tpu.enqueue_indirect_dma source(%dma_start3A_55 : memref<1000000xf32, #tpu.memory_space<hbm>>) target(%arg18 : memref<832xf32, #tpu.memory_space<vmem>>) offsets(%arg15 : memref<832xi32, #tpu.memory_space<vmem>>) semaphore(%arg27 : memref<!tpu.dma_semaphore, #tpu.memory_space<semaphore_mem>>)
      %dma_start3A_56 = arith.constant 0 : i32
      %dma_start3A_57 = tpu.memref_slice %arg6[%dma_start3A_56] : memref<1000000xf32, #tpu.memory_space<hbm>> -> memref<1000000xf32, #tpu.memory_space<hbm>>
      tpu.enqueue_indirect_dma source(%dma_start3A_57 : memref<1000000xf32, #tpu.memory_space<hbm>>) target(%arg19 : memref<832xf32, #tpu.memory_space<vmem>>) offsets(%arg15 : memref<832xi32, #tpu.memory_space<vmem>>) semaphore(%arg27 : memref<!tpu.dma_semaphore, #tpu.memory_space<semaphore_mem>>)
      %ge3A = arith.constant 1 : i32
      %ge3A_58 = arith.cmpi sge, %scan3A_41, %ge3A : i32
      %convert_element_type3A = arith.extui %ge3A_58 : i1 to i32
      %cond3A = arith.constant 0 : i32
      %cond3A_59 = arith.cmpi ne, %convert_element_type3A, %cond3A : i32
      scf.if %cond3A_59 {
        %dma_wait3A_131 = arith.constant 0 : i32
        %dma_wait3A_132 = tpu.memref_slice %arg7[%mul3A_2, %dma_wait3A_131] : memref<425984x16xf32, #tpu.memory_space<hbm>> -> memref<832x16xf32, #tpu.memory_space<hbm>>
        %dma_wait3A_133 = arith.constant 0 : i32
        %dma_wait3A_134 = tpu.memref_slice %arg7[%mul3A_2, %dma_wait3A_133] : memref<425984x16xf32, #tpu.memory_space<hbm>> -> memref<832x16xf32, #tpu.memory_space<hbm>>
        tpu.wait_dma2 semaphore(%arg28 : memref<!tpu.dma_semaphore, #tpu.memory_space<semaphore_mem>>) src(%arg20 : memref<832x16xf32, #tpu.memory_space<vmem>>) dst(%dma_wait3A_134 : memref<832x16xf32, #tpu.memory_space<hbm>>)
        %dma_wait3A_135 = arith.constant 0 : i32
        %dma_wait3A_136 = tpu.memref_slice %arg8[%mul3A_2, %dma_wait3A_135] : memref<425984x16xf32, #tpu.memory_space<hbm>> -> memref<832x16xf32, #tpu.memory_space<hbm>>
        %dma_wait3A_137 = arith.constant 0 : i32
        %dma_wait3A_138 = tpu.memref_slice %arg8[%mul3A_2, %dma_wait3A_137] : memref<425984x16xf32, #tpu.memory_space<hbm>> -> memref<832x16xf32, #tpu.memory_space<hbm>>
        tpu.wait_dma2 semaphore(%arg28 : memref<!tpu.dma_semaphore, #tpu.memory_space<semaphore_mem>>) src(%arg21 : memref<832x16xf32, #tpu.memory_space<vmem>>) dst(%dma_wait3A_138 : memref<832x16xf32, #tpu.memory_space<hbm>>)
        %dma_wait3A_139 = arith.constant 0 : i32
        %dma_wait3A_140 = tpu.memref_slice %arg9[%mul3A_2, %dma_wait3A_139] : memref<425984x16xf32, #tpu.memory_space<hbm>> -> memref<832x16xf32, #tpu.memory_space<hbm>>
        %dma_wait3A_141 = arith.constant 0 : i32
        %dma_wait3A_142 = tpu.memref_slice %arg9[%mul3A_2, %dma_wait3A_141] : memref<425984x16xf32, #tpu.memory_space<hbm>> -> memref<832x16xf32, #tpu.memory_space<hbm>>
        tpu.wait_dma2 semaphore(%arg28 : memref<!tpu.dma_semaphore, #tpu.memory_space<semaphore_mem>>) src(%arg22 : memref<832x16xf32, #tpu.memory_space<vmem>>) dst(%dma_wait3A_142 : memref<832x16xf32, #tpu.memory_space<hbm>>)
      } else {
      }
      %dma_wait3A_60 = arith.constant 0 : i32
      %dma_wait3A_61 = arith.constant 0 : i32
      %dma_wait3A_62 = tpu.memref_slice %arg3[%dma_wait3A_60, %dma_wait3A_61] : memref<1000000x16xf32, #tpu.memory_space<hbm>> -> memref<1000000x16xf32, #tpu.memory_space<hbm>>
      tpu.wait_indirect_dma semaphore(%arg26 : memref<!tpu.dma_semaphore, #tpu.memory_space<semaphore_mem>>) src(%dma_wait3A_62 : memref<1000000x16xf32, #tpu.memory_space<hbm>>) dst(%arg11 : memref<832x16xf32, #tpu.memory_space<vmem>>)
      %dma_wait3A_63 = arith.constant 0 : i32
      %dma_wait3A_64 = tpu.memref_slice %arg4[%dma_wait3A_63] : memref<1000000xf32, #tpu.memory_space<hbm>> -> memref<1000000xf32, #tpu.memory_space<hbm>>
      tpu.wait_indirect_dma semaphore(%arg26 : memref<!tpu.dma_semaphore, #tpu.memory_space<semaphore_mem>>) src(%dma_wait3A_64 : memref<1000000xf32, #tpu.memory_space<hbm>>) dst(%arg12 : memref<832xf32, #tpu.memory_space<vmem>>)
      %dma_wait3A_65 = arith.constant 0 : i32
      %dma_wait3A_66 = tpu.memref_slice %arg5[%dma_wait3A_65] : memref<1000000xf32, #tpu.memory_space<hbm>> -> memref<1000000xf32, #tpu.memory_space<hbm>>
      tpu.wait_indirect_dma semaphore(%arg26 : memref<!tpu.dma_semaphore, #tpu.memory_space<semaphore_mem>>) src(%dma_wait3A_66 : memref<1000000xf32, #tpu.memory_space<hbm>>) dst(%arg13 : memref<832xf32, #tpu.memory_space<vmem>>)
      %dma_wait3A_67 = arith.constant 0 : i32
      %dma_wait3A_68 = tpu.memref_slice %arg6[%dma_wait3A_67] : memref<1000000xf32, #tpu.memory_space<hbm>> -> memref<1000000xf32, #tpu.memory_space<hbm>>
      tpu.wait_indirect_dma semaphore(%arg26 : memref<!tpu.dma_semaphore, #tpu.memory_space<semaphore_mem>>) src(%dma_wait3A_68 : memref<1000000xf32, #tpu.memory_space<hbm>>) dst(%arg14 : memref<832xf32, #tpu.memory_space<vmem>>)
      %scan3A_69 = arith.constant 0 : i32
      %scan3A_70 = arith.constant 0 : i32
      %scan3A_71 = arith.constant 52 : i32
      %scan3A_72 = arith.addi %scan3A_70, %scan3A_71 : i32
      %scan3A_73 = arith.constant 1 : i32
      scf.for %scan3A_131 = %scan3A_70 to %scan3A_72 step %scan3A_73  : i32 {
        %mul3A_132 = arith.constant 16 : i32
        %mul3A_133 = arith.muli %scan3A_131, %mul3A_132 : i32
        %multiple_of3A = tpu.assume_multiple %mul3A_133, 16 : i32
        %get3A = arith.index_cast %multiple_of3A : i32 to index
        %get3A_134 = tpu.vector_load %arg12[%get3A] {strides = array<i32>} : memref<832xf32, #tpu.memory_space<vmem>>, vector<16xf32>,
        %get3A_135 = vector.shape_cast %get3A_134 : vector<16xf32> to vector<16xf32>
        %get3A_136 = arith.index_cast %multiple_of3A : i32 to index
        %get3A_137 = tpu.vector_load %arg13[%get3A_136] {strides = array<i32>} : memref<832xf32, #tpu.memory_space<vmem>>, vector<16xf32>,
        %get3A_138 = vector.shape_cast %get3A_137 : vector<16xf32> to vector<16xf32>
        %get3A_139 = arith.index_cast %multiple_of3A : i32 to index
        %get3A_140 = tpu.vector_load %arg14[%get3A_139] {strides = array<i32>} : memref<832xf32, #tpu.memory_space<vmem>>, vector<16xf32>,
        %get3A_141 = vector.shape_cast %get3A_140 : vector<16xf32> to vector<16xf32>
        %neg3A = arith.constant 0.000000e+00 : f32
        %neg3A_142 = vector.broadcast %neg3A : f32 to vector<16xf32>
        %neg3A_143 = arith.subf %neg3A_142, %get3A_135 : vector<16xf32>
        %exp3A = math.exp %neg3A_143 : vector<16xf32>
        %add3A_144 = arith.constant 1.000000e+00 : f32
        %add3A_145 = vector.broadcast %add3A_144 : f32 to vector<16xf32>
        %add3A_146 = arith.addf %add3A_145, %exp3A : vector<16xf32>
        %div3A = arith.constant 2.000000e+00 : f32
        %div3A_147 = vector.broadcast %div3A : f32 to vector<16xf32>
        %div3A_148 = arith.divf %div3A_147, %add3A_146 : vector<16xf32>
        %neg3A_149 = arith.constant 0.000000e+00 : f32
        %neg3A_150 = vector.broadcast %neg3A_149 : f32 to vector<16xf32>
        %neg3A_151 = arith.subf %neg3A_150, %get3A_138 : vector<16xf32>
        %exp3A_152 = math.exp %neg3A_151 : vector<16xf32>
        %add3A_153 = arith.constant 1.000000e+00 : f32
        %add3A_154 = vector.broadcast %add3A_153 : f32 to vector<16xf32>
        %add3A_155 = arith.addf %add3A_154, %exp3A_152 : vector<16xf32>
        %div3A_156 = arith.constant 2.000000e+00 : f32
        %div3A_157 = vector.broadcast %div3A_156 : f32 to vector<16xf32>
        %div3A_158 = arith.divf %div3A_157, %add3A_155 : vector<16xf32>
        %neg3A_159 = arith.constant 0.000000e+00 : f32
        %neg3A_160 = vector.broadcast %neg3A_159 : f32 to vector<16xf32>
        %neg3A_161 = arith.subf %neg3A_160, %get3A_141 : vector<16xf32>
        %exp3A_162 = math.exp %neg3A_161 : vector<16xf32>
        %add3A_163 = arith.constant 1.000000e+00 : f32
        %add3A_164 = vector.broadcast %add3A_163 : f32 to vector<16xf32>
        %add3A_165 = arith.addf %add3A_164, %exp3A_162 : vector<16xf32>
        %div3A_166 = arith.constant 2.000000e+00 : f32
        %div3A_167 = vector.broadcast %div3A_166 : f32 to vector<16xf32>
        %div3A_168 = arith.divf %div3A_167, %add3A_165 : vector<16xf32>
        %gt3A = arith.constant 1.000000e+00 : f32
        %gt3A_169 = vector.broadcast %gt3A : f32 to vector<16xf32>
        %gt3A_170 = arith.cmpf ogt, %div3A_158, %gt3A_169 : vector<16xf32>
        %select_n3A = arith.select %gt3A_170, %div3A_158, %div3A_148 : vector<16xi1>, vector<16xf32>
        %select_n3A_171 = arith.select %gt3A_170, %div3A_158, %div3A_168 : vector<16xi1>, vector<16xf32>
        %add3A_172 = arith.constant 0 : i32
        %add3A_173 = arith.addi %multiple_of3A, %add3A_172 : i32
        %get3A_174 = arith.index_cast %add3A_173 : i32 to index
        %get3A_175 = arith.constant 0 : index
        %get3A_176 = tpu.vector_load %arg11[%get3A_174, %get3A_175] {strides = array<i32>} : memref<832x16xf32, #tpu.memory_space<vmem>>, vector<1x16xf32>,
        %get3A_177 = vector.shape_cast %get3A_176 : vector<1x16xf32> to vector<16xf32>
        %slice3A = vector.extract_strided_slice %div3A_158 {offsets = [0], sizes = [1], strides = [1]} : vector<16xf32> to vector<1xf32>
        %squeeze3A = vector.extract %slice3A[0] : f32 from vector<1xf32>
        %mul3A_178 = vector.broadcast %squeeze3A : f32 to vector<16xf32>
        %mul3A_179 = arith.mulf %get3A_177, %mul3A_178 : vector<16xf32>
        %swap3A = arith.index_cast %add3A_173 : i32 to index
        %swap3A_180 = arith.constant 0 : index
        %swap3A_181 = tpu.vector_load %arg20[%swap3A, %swap3A_180] {strides = array<i32>} : memref<832x16xf32, #tpu.memory_space<vmem>>, vector<1x16xf32>,
        %swap3A_182 = vector.shape_cast %swap3A_181 : vector<1x16xf32> to vector<16xf32>
        %swap3A_183 = vector.shape_cast %mul3A_179 : vector<16xf32> to vector<1x16xf32>
        tpu.vector_store %arg20[%swap3A, %swap3A_180], %swap3A_183 {strides = array<i32>} : memref<832x16xf32, #tpu.memory_space<vmem>>, vector<1x16xf32>,
        %slice3A_184 = vector.extract_strided_slice %select_n3A {offsets = [0], sizes = [1], strides = [1]} : vector<16xf32> to vector<1xf32>
        %squeeze3A_185 = vector.extract %slice3A_184[0] : f32 from vector<1xf32>
        %mul3A_186 = vector.broadcast %squeeze3A_185 : f32 to vector<16xf32>
        %mul3A_187 = arith.mulf %get3A_177, %mul3A_186 : vector<16xf32>
        %swap3A_188 = arith.index_cast %add3A_173 : i32 to index
        %swap3A_189 = arith.constant 0 : index
        %swap3A_190 = tpu.vector_load %arg21[%swap3A_188, %swap3A_189] {strides = array<i32>} : memref<832x16xf32, #tpu.memory_space<vmem>>, vector<1x16xf32>,
        %swap3A_191 = vector.shape_cast %swap3A_190 : vector<1x16xf32> to vector<16xf32>
        %swap3A_192 = vector.shape_cast %mul3A_187 : vector<16xf32> to vector<1x16xf32>
        tpu.vector_store %arg21[%swap3A_188, %swap3A_189], %swap3A_192 {strides = array<i32>} : memref<832x16xf32, #tpu.memory_space<vmem>>, vector<1x16xf32>,
        %slice3A_193 = vector.extract_strided_slice %select_n3A_171 {offsets = [0], sizes = [1], strides = [1]} : vector<16xf32> to vector<1xf32>
        %squeeze3A_194 = vector.extract %slice3A_193[0] : f32 from vector<1xf32>
        %mul3A_195 = vector.broadcast %squeeze3A_194 : f32 to vector<16xf32>
        %mul3A_196 = arith.mulf %get3A_177, %mul3A_195 : vector<16xf32>
        %swap3A_197 = arith.index_cast %add3A_173 : i32 to index
        %swap3A_198 = arith.constant 0 : index
        %swap3A_199 = tpu.vector_load %arg22[%swap3A_197, %swap3A_198] {strides = array<i32>} : memref<832x16xf32, #tpu.memory_space<vmem>>, vector<1x16xf32>,
        %swap3A_200 = vector.shape_cast %swap3A_199 : vector<1x16xf32> to vector<16xf32>
        %swap3A_201 = vector.shape_cast %mul3A_196 : vector<16xf32> to vector<1x16xf32>
        tpu.vector_store %arg22[%swap3A_197, %swap3A_198], %swap3A_201 {strides = array<i32>} : memref<832x16xf32, #tpu.memory_space<vmem>>, vector<1x16xf32>,
        %add3A_202 = arith.constant 1 : i32
        %add3A_203 = arith.addi %multiple_of3A, %add3A_202 : i32
        %get3A_204 = arith.index_cast %add3A_203 : i32 to index
        %get3A_205 = arith.constant 0 : index
        %get3A_206 = tpu.vector_load %arg11[%get3A_204, %get3A_205] {strides = array<i32>} : memref<832x16xf32, #tpu.memory_space<vmem>>, vector<1x16xf32>,
        %get3A_207 = vector.shape_cast %get3A_206 : vector<1x16xf32> to vector<16xf32>
        %slice3A_208 = vector.extract_strided_slice %div3A_158 {offsets = [1], sizes = [1], strides = [1]} : vector<16xf32> to vector<1xf32>
        %squeeze3A_209 = vector.extract %slice3A_208[0] : f32 from vector<1xf32>
        %mul3A_210 = vector.broadcast %squeeze3A_209 : f32 to vector<16xf32>
        %mul3A_211 = arith.mulf %get3A_207, %mul3A_210 : vector<16xf32>
        %swap3A_212 = arith.index_cast %add3A_203 : i32 to index
        %swap3A_213 = arith.constant 0 : index
        %swap3A_214 = tpu.vector_load %arg20[%swap3A_212, %swap3A_213] {strides = array<i32>} : memref<832x16xf32, #tpu.memory_space<vmem>>, vector<1x16xf32>,
        %swap3A_215 = vector.shape_cast %swap3A_214 : vector<1x16xf32> to vector<16xf32>
        %swap3A_216 = vector.shape_cast %mul3A_211 : vector<16xf32> to vector<1x16xf32>
        tpu.vector_store %arg20[%swap3A_212, %swap3A_213], %swap3A_216 {strides = array<i32>} : memref<832x16xf32, #tpu.memory_space<vmem>>, vector<1x16xf32>,
        %slice3A_217 = vector.extract_strided_slice %select_n3A {offsets = [1], sizes = [1], strides = [1]} : vector<16xf32> to vector<1xf32>
        %squeeze3A_218 = vector.extract %slice3A_217[0] : f32 from vector<1xf32>
        %mul3A_219 = vector.broadcast %squeeze3A_218 : f32 to vector<16xf32>
        %mul3A_220 = arith.mulf %get3A_207, %mul3A_219 : vector<16xf32>
        %swap3A_221 = arith.index_cast %add3A_203 : i32 to index
        %swap3A_222 = arith.constant 0 : index
        %swap3A_223 = tpu.vector_load %arg21[%swap3A_221, %swap3A_222] {strides = array<i32>} : memref<832x16xf32, #tpu.memory_space<vmem>>, vector<1x16xf32>,
        %swap3A_224 = vector.shape_cast %swap3A_223 : vector<1x16xf32> to vector<16xf32>
        %swap3A_225 = vector.shape_cast %mul3A_220 : vector<16xf32> to vector<1x16xf32>
        tpu.vector_store %arg21[%swap3A_221, %swap3A_222], %swap3A_225 {strides = array<i32>} : memref<832x16xf32, #tpu.memory_space<vmem>>, vector<1x16xf32>,
        %slice3A_226 = vector.extract_strided_slice %select_n3A_171 {offsets = [1], sizes = [1], strides = [1]} : vector<16xf32> to vector<1xf32>
        %squeeze3A_227 = vector.extract %slice3A_226[0] : f32 from vector<1xf32>
        %mul3A_228 = vector.broadcast %squeeze3A_227 : f32 to vector<16xf32>
        %mul3A_229 = arith.mulf %get3A_207, %mul3A_228 : vector<16xf32>
        %swap3A_230 = arith.index_cast %add3A_203 : i32 to index
        %swap3A_231 = arith.constant 0 : index
        %swap3A_232 = tpu.vector_load %arg22[%swap3A_230, %swap3A_231] {strides = array<i32>} : memref<832x16xf32, #tpu.memory_space<vmem>>, vector<1x16xf32>,
        %swap3A_233 = vector.shape_cast %swap3A_232 : vector<1x16xf32> to vector<16xf32>
        %swap3A_234 = vector.shape_cast %mul3A_229 : vector<16xf32> to vector<1x16xf32>
        tpu.vector_store %arg22[%swap3A_230, %swap3A_231], %swap3A_234 {strides = array<i32>} : memref<832x16xf32, #tpu.memory_space<vmem>>, vector<1x16xf32>,
        %add3A_235 = arith.constant 2 : i32
        %add3A_236 = arith.addi %multiple_of3A, %add3A_235 : i32
        %get3A_237 = arith.index_cast %add3A_236 : i32 to index
        %get3A_238 = arith.constant 0 : index
        %get3A_239 = tpu.vector_load %arg11[%get3A_237, %get3A_238] {strides = array<i32>} : memref<832x16xf32, #tpu.memory_space<vmem>>, vector<1x16xf32>,
        %get3A_240 = vector.shape_cast %get3A_239 : vector<1x16xf32> to vector<16xf32>
        %slice3A_241 = vector.extract_strided_slice %div3A_158 {offsets = [2], sizes = [1], strides = [1]} : vector<16xf32> to vector<1xf32>
        %squeeze3A_242 = vector.extract %slice3A_241[0] : f32 from vector<1xf32>
        %mul3A_243 = vector.broadcast %squeeze3A_242 : f32 to vector<16xf32>
        %mul3A_244 = arith.mulf %get3A_240, %mul3A_243 : vector<16xf32>
        %swap3A_245 = arith.index_cast %add3A_236 : i32 to index
        %swap3A_246 = arith.constant 0 : index
        %swap3A_247 = tpu.vector_load %arg20[%swap3A_245, %swap3A_246] {strides = array<i32>} : memref<832x16xf32, #tpu.memory_space<vmem>>, vector<1x16xf32>,
        %swap3A_248 = vector.shape_cast %swap3A_247 : vector<1x16xf32> to vector<16xf32>
        %swap3A_249 = vector.shape_cast %mul3A_244 : vector<16xf32> to vector<1x16xf32>
        tpu.vector_store %arg20[%swap3A_245, %swap3A_246], %swap3A_249 {strides = array<i32>} : memref<832x16xf32, #tpu.memory_space<vmem>>, vector<1x16xf32>,
        %slice3A_250 = vector.extract_strided_slice %select_n3A {offsets = [2], sizes = [1], strides = [1]} : vector<16xf32> to vector<1xf32>
        %squeeze3A_251 = vector.extract %slice3A_250[0] : f32 from vector<1xf32>
        %mul3A_252 = vector.broadcast %squeeze3A_251 : f32 to vector<16xf32>
        %mul3A_253 = arith.mulf %get3A_240, %mul3A_252 : vector<16xf32>
        %swap3A_254 = arith.index_cast %add3A_236 : i32 to index
        %swap3A_255 = arith.constant 0 : index
        %swap3A_256 = tpu.vector_load %arg21[%swap3A_254, %swap3A_255] {strides = array<i32>} : memref<832x16xf32, #tpu.memory_space<vmem>>, vector<1x16xf32>,
        %swap3A_257 = vector.shape_cast %swap3A_256 : vector<1x16xf32> to vector<16xf32>
        %swap3A_258 = vector.shape_cast %mul3A_253 : vector<16xf32> to vector<1x16xf32>
        tpu.vector_store %arg21[%swap3A_254, %swap3A_255], %swap3A_258 {strides = array<i32>} : memref<832x16xf32, #tpu.memory_space<vmem>>, vector<1x16xf32>,
        %slice3A_259 = vector.extract_strided_slice %select_n3A_171 {offsets = [2], sizes = [1], strides = [1]} : vector<16xf32> to vector<1xf32>
        %squeeze3A_260 = vector.extract %slice3A_259[0] : f32 from vector<1xf32>
        %mul3A_261 = vector.broadcast %squeeze3A_260 : f32 to vector<16xf32>
        %mul3A_262 = arith.mulf %get3A_240, %mul3A_261 : vector<16xf32>
        %swap3A_263 = arith.index_cast %add3A_236 : i32 to index
        %swap3A_264 = arith.constant 0 : index
        %swap3A_265 = tpu.vector_load %arg22[%swap3A_263, %swap3A_264] {strides = array<i32>} : memref<832x16xf32, #tpu.memory_space<vmem>>, vector<1x16xf32>,
        %swap3A_266 = vector.shape_cast %swap3A_265 : vector<1x16xf32> to vector<16xf32>
        %swap3A_267 = vector.shape_cast %mul3A_262 : vector<16xf32> to vector<1x16xf32>
        tpu.vector_store %arg22[%swap3A_263, %swap3A_264], %swap3A_267 {strides = array<i32>} : memref<832x16xf32, #tpu.memory_space<vmem>>, vector<1x16xf32>,
        %add3A_268 = arith.constant 3 : i32
        %add3A_269 = arith.addi %multiple_of3A, %add3A_268 : i32
        %get3A_270 = arith.index_cast %add3A_269 : i32 to index
        %get3A_271 = arith.constant 0 : index
        %get3A_272 = tpu.vector_load %arg11[%get3A_270, %get3A_271] {strides = array<i32>} : memref<832x16xf32, #tpu.memory_space<vmem>>, vector<1x16xf32>,
        %get3A_273 = vector.shape_cast %get3A_272 : vector<1x16xf32> to vector<16xf32>
        %slice3A_274 = vector.extract_strided_slice %div3A_158 {offsets = [3], sizes = [1], strides = [1]} : vector<16xf32> to vector<1xf32>
        %squeeze3A_275 = vector.extract %slice3A_274[0] : f32 from vector<1xf32>
        %mul3A_276 = vector.broadcast %squeeze3A_275 : f32 to vector<16xf32>
        %mul3A_277 = arith.mulf %get3A_273, %mul3A_276 : vector<16xf32>
        %swap3A_278 = arith.index_cast %add3A_269 : i32 to index
        %swap3A_279 = arith.constant 0 : index
        %swap3A_280 = tpu.vector_load %arg20[%swap3A_278, %swap3A_279] {strides = array<i32>} : memref<832x16xf32, #tpu.memory_space<vmem>>, vector<1x16xf32>,
        %swap3A_281 = vector.shape_cast %swap3A_280 : vector<1x16xf32> to vector<16xf32>
        %swap3A_282 = vector.shape_cast %mul3A_277 : vector<16xf32> to vector<1x16xf32>
        tpu.vector_store %arg20[%swap3A_278, %swap3A_279], %swap3A_282 {strides = array<i32>} : memref<832x16xf32, #tpu.memory_space<vmem>>, vector<1x16xf32>,
        %slice3A_283 = vector.extract_strided_slice %select_n3A {offsets = [3], sizes = [1], strides = [1]} : vector<16xf32> to vector<1xf32>
        %squeeze3A_284 = vector.extract %slice3A_283[0] : f32 from vector<1xf32>
        %mul3A_285 = vector.broadcast %squeeze3A_284 : f32 to vector<16xf32>
        %mul3A_286 = arith.mulf %get3A_273, %mul3A_285 : vector<16xf32>
        %swap3A_287 = arith.index_cast %add3A_269 : i32 to index
        %swap3A_288 = arith.constant 0 : index
        %swap3A_289 = tpu.vector_load %arg21[%swap3A_287, %swap3A_288] {strides = array<i32>} : memref<832x16xf32, #tpu.memory_space<vmem>>, vector<1x16xf32>,
        %swap3A_290 = vector.shape_cast %swap3A_289 : vector<1x16xf32> to vector<16xf32>
        %swap3A_291 = vector.shape_cast %mul3A_286 : vector<16xf32> to vector<1x16xf32>
        tpu.vector_store %arg21[%swap3A_287, %swap3A_288], %swap3A_291 {strides = array<i32>} : memref<832x16xf32, #tpu.memory_space<vmem>>, vector<1x16xf32>,
        %slice3A_292 = vector.extract_strided_slice %select_n3A_171 {offsets = [3], sizes = [1], strides = [1]} : vector<16xf32> to vector<1xf32>
        %squeeze3A_293 = vector.extract %slice3A_292[0] : f32 from vector<1xf32>
        %mul3A_294 = vector.broadcast %squeeze3A_293 : f32 to vector<16xf32>
        %mul3A_295 = arith.mulf %get3A_273, %mul3A_294 : vector<16xf32>
        %swap3A_296 = arith.index_cast %add3A_269 : i32 to index
        %swap3A_297 = arith.constant 0 : index
        %swap3A_298 = tpu.vector_load %arg22[%swap3A_296, %swap3A_297] {strides = array<i32>} : memref<832x16xf32, #tpu.memory_space<vmem>>, vector<1x16xf32>,
        %swap3A_299 = vector.shape_cast %swap3A_298 : vector<1x16xf32> to vector<16xf32>
        %swap3A_300 = vector.shape_cast %mul3A_295 : vector<16xf32> to vector<1x16xf32>
        tpu.vector_store %arg22[%swap3A_296, %swap3A_297], %swap3A_300 {strides = array<i32>} : memref<832x16xf32, #tpu.memory_space<vmem>>, vector<1x16xf32>,
        %add3A_301 = arith.constant 4 : i32
        %add3A_302 = arith.addi %multiple_of3A, %add3A_301 : i32
        %get3A_303 = arith.index_cast %add3A_302 : i32 to index
        %get3A_304 = arith.constant 0 : index
        %get3A_305 = tpu.vector_load %arg11[%get3A_303, %get3A_304] {strides = array<i32>} : memref<832x16xf32, #tpu.memory_space<vmem>>, vector<1x16xf32>,
        %get3A_306 = vector.shape_cast %get3A_305 : vector<1x16xf32> to vector<16xf32>
        %slice3A_307 = vector.extract_strided_slice %div3A_158 {offsets = [4], sizes = [1], strides = [1]} : vector<16xf32> to vector<1xf32>
        %squeeze3A_308 = vector.extract %slice3A_307[0] : f32 from vector<1xf32>
        %mul3A_309 = vector.broadcast %squeeze3A_308 : f32 to vector<16xf32>
        %mul3A_310 = arith.mulf %get3A_306, %mul3A_309 : vector<16xf32>
        %swap3A_311 = arith.index_cast %add3A_302 : i32 to index
        %swap3A_312 = arith.constant 0 : index
        %swap3A_313 = tpu.vector_load %arg20[%swap3A_311, %swap3A_312] {strides = array<i32>} : memref<832x16xf32, #tpu.memory_space<vmem>>, vector<1x16xf32>,
        %swap3A_314 = vector.shape_cast %swap3A_313 : vector<1x16xf32> to vector<16xf32>
        %swap3A_315 = vector.shape_cast %mul3A_310 : vector<16xf32> to vector<1x16xf32>
        tpu.vector_store %arg20[%swap3A_311, %swap3A_312], %swap3A_315 {strides = array<i32>} : memref<832x16xf32, #tpu.memory_space<vmem>>, vector<1x16xf32>,
        %slice3A_316 = vector.extract_strided_slice %select_n3A {offsets = [4], sizes = [1], strides = [1]} : vector<16xf32> to vector<1xf32>
        %squeeze3A_317 = vector.extract %slice3A_316[0] : f32 from vector<1xf32>
        %mul3A_318 = vector.broadcast %squeeze3A_317 : f32 to vector<16xf32>
        %mul3A_319 = arith.mulf %get3A_306, %mul3A_318 : vector<16xf32>
        %swap3A_320 = arith.index_cast %add3A_302 : i32 to index
        %swap3A_321 = arith.constant 0 : index
        %swap3A_322 = tpu.vector_load %arg21[%swap3A_320, %swap3A_321] {strides = array<i32>} : memref<832x16xf32, #tpu.memory_space<vmem>>, vector<1x16xf32>,
        %swap3A_323 = vector.shape_cast %swap3A_322 : vector<1x16xf32> to vector<16xf32>
        %swap3A_324 = vector.shape_cast %mul3A_319 : vector<16xf32> to vector<1x16xf32>
        tpu.vector_store %arg21[%swap3A_320, %swap3A_321], %swap3A_324 {strides = array<i32>} : memref<832x16xf32, #tpu.memory_space<vmem>>, vector<1x16xf32>,
        %slice3A_325 = vector.extract_strided_slice %select_n3A_171 {offsets = [4], sizes = [1], strides = [1]} : vector<16xf32> to vector<1xf32>
        %squeeze3A_326 = vector.extract %slice3A_325[0] : f32 from vector<1xf32>
        %mul3A_327 = vector.broadcast %squeeze3A_326 : f32 to vector<16xf32>
        %mul3A_328 = arith.mulf %get3A_306, %mul3A_327 : vector<16xf32>
        %swap3A_329 = arith.index_cast %add3A_302 : i32 to index
        %swap3A_330 = arith.constant 0 : index
        %swap3A_331 = tpu.vector_load %arg22[%swap3A_329, %swap3A_330] {strides = array<i32>} : memref<832x16xf32, #tpu.memory_space<vmem>>, vector<1x16xf32>,
        %swap3A_332 = vector.shape_cast %swap3A_331 : vector<1x16xf32> to vector<16xf32>
        %swap3A_333 = vector.shape_cast %mul3A_328 : vector<16xf32> to vector<1x16xf32>
        tpu.vector_store %arg22[%swap3A_329, %swap3A_330], %swap3A_333 {strides = array<i32>} : memref<832x16xf32, #tpu.memory_space<vmem>>, vector<1x16xf32>,
        %add3A_334 = arith.constant 5 : i32
        %add3A_335 = arith.addi %multiple_of3A, %add3A_334 : i32
        %get3A_336 = arith.index_cast %add3A_335 : i32 to index
        %get3A_337 = arith.constant 0 : index
        %get3A_338 = tpu.vector_load %arg11[%get3A_336, %get3A_337] {strides = array<i32>} : memref<832x16xf32, #tpu.memory_space<vmem>>, vector<1x16xf32>,
        %get3A_339 = vector.shape_cast %get3A_338 : vector<1x16xf32> to vector<16xf32>
        %slice3A_340 = vector.extract_strided_slice %div3A_158 {offsets = [5], sizes = [1], strides = [1]} : vector<16xf32> to vector<1xf32>
        %squeeze3A_341 = vector.extract %slice3A_340[0] : f32 from vector<1xf32>
        %mul3A_342 = vector.broadcast %squeeze3A_341 : f32 to vector<16xf32>
        %mul3A_343 = arith.mulf %get3A_339, %mul3A_342 : vector<16xf32>
        %swap3A_344 = arith.index_cast %add3A_335 : i32 to index
        %swap3A_345 = arith.constant 0 : index
        %swap3A_346 = tpu.vector_load %arg20[%swap3A_344, %swap3A_345] {strides = array<i32>} : memref<832x16xf32, #tpu.memory_space<vmem>>, vector<1x16xf32>,
        %swap3A_347 = vector.shape_cast %swap3A_346 : vector<1x16xf32> to vector<16xf32>
        %swap3A_348 = vector.shape_cast %mul3A_343 : vector<16xf32> to vector<1x16xf32>
        tpu.vector_store %arg20[%swap3A_344, %swap3A_345], %swap3A_348 {strides = array<i32>} : memref<832x16xf32, #tpu.memory_space<vmem>>, vector<1x16xf32>,
        %slice3A_349 = vector.extract_strided_slice %select_n3A {offsets = [5], sizes = [1], strides = [1]} : vector<16xf32> to vector<1xf32>
        %squeeze3A_350 = vector.extract %slice3A_349[0] : f32 from vector<1xf32>
        %mul3A_351 = vector.broadcast %squeeze3A_350 : f32 to vector<16xf32>
        %mul3A_352 = arith.mulf %get3A_339, %mul3A_351 : vector<16xf32>
        %swap3A_353 = arith.index_cast %add3A_335 : i32 to index
        %swap3A_354 = arith.constant 0 : index
        %swap3A_355 = tpu.vector_load %arg21[%swap3A_353, %swap3A_354] {strides = array<i32>} : memref<832x16xf32, #tpu.memory_space<vmem>>, vector<1x16xf32>,
        %swap3A_356 = vector.shape_cast %swap3A_355 : vector<1x16xf32> to vector<16xf32>
        %swap3A_357 = vector.shape_cast %mul3A_352 : vector<16xf32> to vector<1x16xf32>
        tpu.vector_store %arg21[%swap3A_353, %swap3A_354], %swap3A_357 {strides = array<i32>} : memref<832x16xf32, #tpu.memory_space<vmem>>, vector<1x16xf32>,
        %slice3A_358 = vector.extract_strided_slice %select_n3A_171 {offsets = [5], sizes = [1], strides = [1]} : vector<16xf32> to vector<1xf32>
        %squeeze3A_359 = vector.extract %slice3A_358[0] : f32 from vector<1xf32>
        %mul3A_360 = vector.broadcast %squeeze3A_359 : f32 to vector<16xf32>
        %mul3A_361 = arith.mulf %get3A_339, %mul3A_360 : vector<16xf32>
        %swap3A_362 = arith.index_cast %add3A_335 : i32 to index
        %swap3A_363 = arith.constant 0 : index
        %swap3A_364 = tpu.vector_load %arg22[%swap3A_362, %swap3A_363] {strides = array<i32>} : memref<832x16xf32, #tpu.memory_space<vmem>>, vector<1x16xf32>,
        %swap3A_365 = vector.shape_cast %swap3A_364 : vector<1x16xf32> to vector<16xf32>
        %swap3A_366 = vector.shape_cast %mul3A_361 : vector<16xf32> to vector<1x16xf32>
        tpu.vector_store %arg22[%swap3A_362, %swap3A_363], %swap3A_366 {strides = array<i32>} : memref<832x16xf32, #tpu.memory_space<vmem>>, vector<1x16xf32>,
        %add3A_367 = arith.constant 6 : i32
        %add3A_368 = arith.addi %multiple_of3A, %add3A_367 : i32
        %get3A_369 = arith.index_cast %add3A_368 : i32 to index
        %get3A_370 = arith.constant 0 : index
        %get3A_371 = tpu.vector_load %arg11[%get3A_369, %get3A_370] {strides = array<i32>} : memref<832x16xf32, #tpu.memory_space<vmem>>, vector<1x16xf32>,
        %get3A_372 = vector.shape_cast %get3A_371 : vector<1x16xf32> to vector<16xf32>
        %slice3A_373 = vector.extract_strided_slice %div3A_158 {offsets = [6], sizes = [1], strides = [1]} : vector<16xf32> to vector<1xf32>
        %squeeze3A_374 = vector.extract %slice3A_373[0] : f32 from vector<1xf32>
        %mul3A_375 = vector.broadcast %squeeze3A_374 : f32 to vector<16xf32>
        %mul3A_376 = arith.mulf %get3A_372, %mul3A_375 : vector<16xf32>
        %swap3A_377 = arith.index_cast %add3A_368 : i32 to index
        %swap3A_378 = arith.constant 0 : index
        %swap3A_379 = tpu.vector_load %arg20[%swap3A_377, %swap3A_378] {strides = array<i32>} : memref<832x16xf32, #tpu.memory_space<vmem>>, vector<1x16xf32>,
        %swap3A_380 = vector.shape_cast %swap3A_379 : vector<1x16xf32> to vector<16xf32>
        %swap3A_381 = vector.shape_cast %mul3A_376 : vector<16xf32> to vector<1x16xf32>
        tpu.vector_store %arg20[%swap3A_377, %swap3A_378], %swap3A_381 {strides = array<i32>} : memref<832x16xf32, #tpu.memory_space<vmem>>, vector<1x16xf32>,
        %slice3A_382 = vector.extract_strided_slice %select_n3A {offsets = [6], sizes = [1], strides = [1]} : vector<16xf32> to vector<1xf32>
        %squeeze3A_383 = vector.extract %slice3A_382[0] : f32 from vector<1xf32>
        %mul3A_384 = vector.broadcast %squeeze3A_383 : f32 to vector<16xf32>
        %mul3A_385 = arith.mulf %get3A_372, %mul3A_384 : vector<16xf32>
        %swap3A_386 = arith.index_cast %add3A_368 : i32 to index
        %swap3A_387 = arith.constant 0 : index
        %swap3A_388 = tpu.vector_load %arg21[%swap3A_386, %swap3A_387] {strides = array<i32>} : memref<832x16xf32, #tpu.memory_space<vmem>>, vector<1x16xf32>,
        %swap3A_389 = vector.shape_cast %swap3A_388 : vector<1x16xf32> to vector<16xf32>
        %swap3A_390 = vector.shape_cast %mul3A_385 : vector<16xf32> to vector<1x16xf32>
        tpu.vector_store %arg21[%swap3A_386, %swap3A_387], %swap3A_390 {strides = array<i32>} : memref<832x16xf32, #tpu.memory_space<vmem>>, vector<1x16xf32>,
        %slice3A_391 = vector.extract_strided_slice %select_n3A_171 {offsets = [6], sizes = [1], strides = [1]} : vector<16xf32> to vector<1xf32>
        %squeeze3A_392 = vector.extract %slice3A_391[0] : f32 from vector<1xf32>
        %mul3A_393 = vector.broadcast %squeeze3A_392 : f32 to vector<16xf32>
        %mul3A_394 = arith.mulf %get3A_372, %mul3A_393 : vector<16xf32>
        %swap3A_395 = arith.index_cast %add3A_368 : i32 to index
        %swap3A_396 = arith.constant 0 : index
        %swap3A_397 = tpu.vector_load %arg22[%swap3A_395, %swap3A_396] {strides = array<i32>} : memref<832x16xf32, #tpu.memory_space<vmem>>, vector<1x16xf32>,
        %swap3A_398 = vector.shape_cast %swap3A_397 : vector<1x16xf32> to vector<16xf32>
        %swap3A_399 = vector.shape_cast %mul3A_394 : vector<16xf32> to vector<1x16xf32>
        tpu.vector_store %arg22[%swap3A_395, %swap3A_396], %swap3A_399 {strides = array<i32>} : memref<832x16xf32, #tpu.memory_space<vmem>>, vector<1x16xf32>,
        %add3A_400 = arith.constant 7 : i32
        %add3A_401 = arith.addi %multiple_of3A, %add3A_400 : i32
        %get3A_402 = arith.index_cast %add3A_401 : i32 to index
        %get3A_403 = arith.constant 0 : index
        %get3A_404 = tpu.vector_load %arg11[%get3A_402, %get3A_403] {strides = array<i32>} : memref<832x16xf32, #tpu.memory_space<vmem>>, vector<1x16xf32>,
        %get3A_405 = vector.shape_cast %get3A_404 : vector<1x16xf32> to vector<16xf32>
        %slice3A_406 = vector.extract_strided_slice %div3A_158 {offsets = [7], sizes = [1], strides = [1]} : vector<16xf32> to vector<1xf32>
        %squeeze3A_407 = vector.extract %slice3A_406[0] : f32 from vector<1xf32>
        %mul3A_408 = vector.broadcast %squeeze3A_407 : f32 to vector<16xf32>
        %mul3A_409 = arith.mulf %get3A_405, %mul3A_408 : vector<16xf32>
        %swap3A_410 = arith.index_cast %add3A_401 : i32 to index
        %swap3A_411 = arith.constant 0 : index
        %swap3A_412 = tpu.vector_load %arg20[%swap3A_410, %swap3A_411] {strides = array<i32>} : memref<832x16xf32, #tpu.memory_space<vmem>>, vector<1x16xf32>,
        %swap3A_413 = vector.shape_cast %swap3A_412 : vector<1x16xf32> to vector<16xf32>
        %swap3A_414 = vector.shape_cast %mul3A_409 : vector<16xf32> to vector<1x16xf32>
        tpu.vector_store %arg20[%swap3A_410, %swap3A_411], %swap3A_414 {strides = array<i32>} : memref<832x16xf32, #tpu.memory_space<vmem>>, vector<1x16xf32>,
        %slice3A_415 = vector.extract_strided_slice %select_n3A {offsets = [7], sizes = [1], strides = [1]} : vector<16xf32> to vector<1xf32>
        %squeeze3A_416 = vector.extract %slice3A_415[0] : f32 from vector<1xf32>
        %mul3A_417 = vector.broadcast %squeeze3A_416 : f32 to vector<16xf32>
        %mul3A_418 = arith.mulf %get3A_405, %mul3A_417 : vector<16xf32>
        %swap3A_419 = arith.index_cast %add3A_401 : i32 to index
        %swap3A_420 = arith.constant 0 : index
        %swap3A_421 = tpu.vector_load %arg21[%swap3A_419, %swap3A_420] {strides = array<i32>} : memref<832x16xf32, #tpu.memory_space<vmem>>, vector<1x16xf32>,
        %swap3A_422 = vector.shape_cast %swap3A_421 : vector<1x16xf32> to vector<16xf32>
        %swap3A_423 = vector.shape_cast %mul3A_418 : vector<16xf32> to vector<1x16xf32>
        tpu.vector_store %arg21[%swap3A_419, %swap3A_420], %swap3A_423 {strides = array<i32>} : memref<832x16xf32, #tpu.memory_space<vmem>>, vector<1x16xf32>,
        %slice3A_424 = vector.extract_strided_slice %select_n3A_171 {offsets = [7], sizes = [1], strides = [1]} : vector<16xf32> to vector<1xf32>
        %squeeze3A_425 = vector.extract %slice3A_424[0] : f32 from vector<1xf32>
        %mul3A_426 = vector.broadcast %squeeze3A_425 : f32 to vector<16xf32>
        %mul3A_427 = arith.mulf %get3A_405, %mul3A_426 : vector<16xf32>
        %swap3A_428 = arith.index_cast %add3A_401 : i32 to index
        %swap3A_429 = arith.constant 0 : index
        %swap3A_430 = tpu.vector_load %arg22[%swap3A_428, %swap3A_429] {strides = array<i32>} : memref<832x16xf32, #tpu.memory_space<vmem>>, vector<1x16xf32>,
        %swap3A_431 = vector.shape_cast %swap3A_430 : vector<1x16xf32> to vector<16xf32>
        %swap3A_432 = vector.shape_cast %mul3A_427 : vector<16xf32> to vector<1x16xf32>
        tpu.vector_store %arg22[%swap3A_428, %swap3A_429], %swap3A_432 {strides = array<i32>} : memref<832x16xf32, #tpu.memory_space<vmem>>, vector<1x16xf32>,
        %add3A_433 = arith.constant 8 : i32
        %add3A_434 = arith.addi %multiple_of3A, %add3A_433 : i32
        %get3A_435 = arith.index_cast %add3A_434 : i32 to index
        %get3A_436 = arith.constant 0 : index
        %get3A_437 = tpu.vector_load %arg11[%get3A_435, %get3A_436] {strides = array<i32>} : memref<832x16xf32, #tpu.memory_space<vmem>>, vector<1x16xf32>,
        %get3A_438 = vector.shape_cast %get3A_437 : vector<1x16xf32> to vector<16xf32>
        %slice3A_439 = vector.extract_strided_slice %div3A_158 {offsets = [8], sizes = [1], strides = [1]} : vector<16xf32> to vector<1xf32>
        %squeeze3A_440 = vector.extract %slice3A_439[0] : f32 from vector<1xf32>
        %mul3A_441 = vector.broadcast %squeeze3A_440 : f32 to vector<16xf32>
        %mul3A_442 = arith.mulf %get3A_438, %mul3A_441 : vector<16xf32>
        %swap3A_443 = arith.index_cast %add3A_434 : i32 to index
        %swap3A_444 = arith.constant 0 : index
        %swap3A_445 = tpu.vector_load %arg20[%swap3A_443, %swap3A_444] {strides = array<i32>} : memref<832x16xf32, #tpu.memory_space<vmem>>, vector<1x16xf32>,
        %swap3A_446 = vector.shape_cast %swap3A_445 : vector<1x16xf32> to vector<16xf32>
        %swap3A_447 = vector.shape_cast %mul3A_442 : vector<16xf32> to vector<1x16xf32>
        tpu.vector_store %arg20[%swap3A_443, %swap3A_444], %swap3A_447 {strides = array<i32>} : memref<832x16xf32, #tpu.memory_space<vmem>>, vector<1x16xf32>,
        %slice3A_448 = vector.extract_strided_slice %select_n3A {offsets = [8], sizes = [1], strides = [1]} : vector<16xf32> to vector<1xf32>
        %squeeze3A_449 = vector.extract %slice3A_448[0] : f32 from vector<1xf32>
        %mul3A_450 = vector.broadcast %squeeze3A_449 : f32 to vector<16xf32>
        %mul3A_451 = arith.mulf %get3A_438, %mul3A_450 : vector<16xf32>
        %swap3A_452 = arith.index_cast %add3A_434 : i32 to index
        %swap3A_453 = arith.constant 0 : index
        %swap3A_454 = tpu.vector_load %arg21[%swap3A_452, %swap3A_453] {strides = array<i32>} : memref<832x16xf32, #tpu.memory_space<vmem>>, vector<1x16xf32>,
        %swap3A_455 = vector.shape_cast %swap3A_454 : vector<1x16xf32> to vector<16xf32>
        %swap3A_456 = vector.shape_cast %mul3A_451 : vector<16xf32> to vector<1x16xf32>
        tpu.vector_store %arg21[%swap3A_452, %swap3A_453], %swap3A_456 {strides = array<i32>} : memref<832x16xf32, #tpu.memory_space<vmem>>, vector<1x16xf32>,
        %slice3A_457 = vector.extract_strided_slice %select_n3A_171 {offsets = [8], sizes = [1], strides = [1]} : vector<16xf32> to vector<1xf32>
        %squeeze3A_458 = vector.extract %slice3A_457[0] : f32 from vector<1xf32>
        %mul3A_459 = vector.broadcast %squeeze3A_458 : f32 to vector<16xf32>
        %mul3A_460 = arith.mulf %get3A_438, %mul3A_459 : vector<16xf32>
        %swap3A_461 = arith.index_cast %add3A_434 : i32 to index
        %swap3A_462 = arith.constant 0 : index
        %swap3A_463 = tpu.vector_load %arg22[%swap3A_461, %swap3A_462] {strides = array<i32>} : memref<832x16xf32, #tpu.memory_space<vmem>>, vector<1x16xf32>,
        %swap3A_464 = vector.shape_cast %swap3A_463 : vector<1x16xf32> to vector<16xf32>
        %swap3A_465 = vector.shape_cast %mul3A_460 : vector<16xf32> to vector<1x16xf32>
        tpu.vector_store %arg22[%swap3A_461, %swap3A_462], %swap3A_465 {strides = array<i32>} : memref<832x16xf32, #tpu.memory_space<vmem>>, vector<1x16xf32>,
        %add3A_466 = arith.constant 9 : i32
        %add3A_467 = arith.addi %multiple_of3A, %add3A_466 : i32
        %get3A_468 = arith.index_cast %add3A_467 : i32 to index
        %get3A_469 = arith.constant 0 : index
        %get3A_470 = tpu.vector_load %arg11[%get3A_468, %get3A_469] {strides = array<i32>} : memref<832x16xf32, #tpu.memory_space<vmem>>, vector<1x16xf32>,
        %get3A_471 = vector.shape_cast %get3A_470 : vector<1x16xf32> to vector<16xf32>
        %slice3A_472 = vector.extract_strided_slice %div3A_158 {offsets = [9], sizes = [1], strides = [1]} : vector<16xf32> to vector<1xf32>
        %squeeze3A_473 = vector.extract %slice3A_472[0] : f32 from vector<1xf32>
        %mul3A_474 = vector.broadcast %squeeze3A_473 : f32 to vector<16xf32>
        %mul3A_475 = arith.mulf %get3A_471, %mul3A_474 : vector<16xf32>
        %swap3A_476 = arith.index_cast %add3A_467 : i32 to index
        %swap3A_477 = arith.constant 0 : index
        %swap3A_478 = tpu.vector_load %arg20[%swap3A_476, %swap3A_477] {strides = array<i32>} : memref<832x16xf32, #tpu.memory_space<vmem>>, vector<1x16xf32>,
        %swap3A_479 = vector.shape_cast %swap3A_478 : vector<1x16xf32> to vector<16xf32>
        %swap3A_480 = vector.shape_cast %mul3A_475 : vector<16xf32> to vector<1x16xf32>
        tpu.vector_store %arg20[%swap3A_476, %swap3A_477], %swap3A_480 {strides = array<i32>} : memref<832x16xf32, #tpu.memory_space<vmem>>, vector<1x16xf32>,
        %slice3A_481 = vector.extract_strided_slice %select_n3A {offsets = [9], sizes = [1], strides = [1]} : vector<16xf32> to vector<1xf32>
        %squeeze3A_482 = vector.extract %slice3A_481[0] : f32 from vector<1xf32>
        %mul3A_483 = vector.broadcast %squeeze3A_482 : f32 to vector<16xf32>
        %mul3A_484 = arith.mulf %get3A_471, %mul3A_483 : vector<16xf32>
        %swap3A_485 = arith.index_cast %add3A_467 : i32 to index
        %swap3A_486 = arith.constant 0 : index
        %swap3A_487 = tpu.vector_load %arg21[%swap3A_485, %swap3A_486] {strides = array<i32>} : memref<832x16xf32, #tpu.memory_space<vmem>>, vector<1x16xf32>,
        %swap3A_488 = vector.shape_cast %swap3A_487 : vector<1x16xf32> to vector<16xf32>
        %swap3A_489 = vector.shape_cast %mul3A_484 : vector<16xf32> to vector<1x16xf32>
        tpu.vector_store %arg21[%swap3A_485, %swap3A_486], %swap3A_489 {strides = array<i32>} : memref<832x16xf32, #tpu.memory_space<vmem>>, vector<1x16xf32>,
        %slice3A_490 = vector.extract_strided_slice %select_n3A_171 {offsets = [9], sizes = [1], strides = [1]} : vector<16xf32> to vector<1xf32>
        %squeeze3A_491 = vector.extract %slice3A_490[0] : f32 from vector<1xf32>
        %mul3A_492 = vector.broadcast %squeeze3A_491 : f32 to vector<16xf32>
        %mul3A_493 = arith.mulf %get3A_471, %mul3A_492 : vector<16xf32>
        %swap3A_494 = arith.index_cast %add3A_467 : i32 to index
        %swap3A_495 = arith.constant 0 : index
        %swap3A_496 = tpu.vector_load %arg22[%swap3A_494, %swap3A_495] {strides = array<i32>} : memref<832x16xf32, #tpu.memory_space<vmem>>, vector<1x16xf32>,
        %swap3A_497 = vector.shape_cast %swap3A_496 : vector<1x16xf32> to vector<16xf32>
        %swap3A_498 = vector.shape_cast %mul3A_493 : vector<16xf32> to vector<1x16xf32>
        tpu.vector_store %arg22[%swap3A_494, %swap3A_495], %swap3A_498 {strides = array<i32>} : memref<832x16xf32, #tpu.memory_space<vmem>>, vector<1x16xf32>,
        %add3A_499 = arith.constant 10 : i32
        %add3A_500 = arith.addi %multiple_of3A, %add3A_499 : i32
        %get3A_501 = arith.index_cast %add3A_500 : i32 to index
        %get3A_502 = arith.constant 0 : index
        %get3A_503 = tpu.vector_load %arg11[%get3A_501, %get3A_502] {strides = array<i32>} : memref<832x16xf32, #tpu.memory_space<vmem>>, vector<1x16xf32>,
        %get3A_504 = vector.shape_cast %get3A_503 : vector<1x16xf32> to vector<16xf32>
        %slice3A_505 = vector.extract_strided_slice %div3A_158 {offsets = [10], sizes = [1], strides = [1]} : vector<16xf32> to vector<1xf32>
        %squeeze3A_506 = vector.extract %slice3A_505[0] : f32 from vector<1xf32>
        %mul3A_507 = vector.broadcast %squeeze3A_506 : f32 to vector<16xf32>
        %mul3A_508 = arith.mulf %get3A_504, %mul3A_507 : vector<16xf32>
        %swap3A_509 = arith.index_cast %add3A_500 : i32 to index
        %swap3A_510 = arith.constant 0 : index
        %swap3A_511 = tpu.vector_load %arg20[%swap3A_509, %swap3A_510] {strides = array<i32>} : memref<832x16xf32, #tpu.memory_space<vmem>>, vector<1x16xf32>,
        %swap3A_512 = vector.shape_cast %swap3A_511 : vector<1x16xf32> to vector<16xf32>
        %swap3A_513 = vector.shape_cast %mul3A_508 : vector<16xf32> to vector<1x16xf32>
        tpu.vector_store %arg20[%swap3A_509, %swap3A_510], %swap3A_513 {strides = array<i32>} : memref<832x16xf32, #tpu.memory_space<vmem>>, vector<1x16xf32>,
        %slice3A_514 = vector.extract_strided_slice %select_n3A {offsets = [10], sizes = [1], strides = [1]} : vector<16xf32> to vector<1xf32>
        %squeeze3A_515 = vector.extract %slice3A_514[0] : f32 from vector<1xf32>
        %mul3A_516 = vector.broadcast %squeeze3A_515 : f32 to vector<16xf32>
        %mul3A_517 = arith.mulf %get3A_504, %mul3A_516 : vector<16xf32>
        %swap3A_518 = arith.index_cast %add3A_500 : i32 to index
        %swap3A_519 = arith.constant 0 : index
        %swap3A_520 = tpu.vector_load %arg21[%swap3A_518, %swap3A_519] {strides = array<i32>} : memref<832x16xf32, #tpu.memory_space<vmem>>, vector<1x16xf32>,
        %swap3A_521 = vector.shape_cast %swap3A_520 : vector<1x16xf32> to vector<16xf32>
        %swap3A_522 = vector.shape_cast %mul3A_517 : vector<16xf32> to vector<1x16xf32>
        tpu.vector_store %arg21[%swap3A_518, %swap3A_519], %swap3A_522 {strides = array<i32>} : memref<832x16xf32, #tpu.memory_space<vmem>>, vector<1x16xf32>,
        %slice3A_523 = vector.extract_strided_slice %select_n3A_171 {offsets = [10], sizes = [1], strides = [1]} : vector<16xf32> to vector<1xf32>
        %squeeze3A_524 = vector.extract %slice3A_523[0] : f32 from vector<1xf32>
        %mul3A_525 = vector.broadcast %squeeze3A_524 : f32 to vector<16xf32>
        %mul3A_526 = arith.mulf %get3A_504, %mul3A_525 : vector<16xf32>
        %swap3A_527 = arith.index_cast %add3A_500 : i32 to index
        %swap3A_528 = arith.constant 0 : index
        %swap3A_529 = tpu.vector_load %arg22[%swap3A_527, %swap3A_528] {strides = array<i32>} : memref<832x16xf32, #tpu.memory_space<vmem>>, vector<1x16xf32>,
        %swap3A_530 = vector.shape_cast %swap3A_529 : vector<1x16xf32> to vector<16xf32>
        %swap3A_531 = vector.shape_cast %mul3A_526 : vector<16xf32> to vector<1x16xf32>
        tpu.vector_store %arg22[%swap3A_527, %swap3A_528], %swap3A_531 {strides = array<i32>} : memref<832x16xf32, #tpu.memory_space<vmem>>, vector<1x16xf32>,
        %add3A_532 = arith.constant 11 : i32
        %add3A_533 = arith.addi %multiple_of3A, %add3A_532 : i32
        %get3A_534 = arith.index_cast %add3A_533 : i32 to index
        %get3A_535 = arith.constant 0 : index
        %get3A_536 = tpu.vector_load %arg11[%get3A_534, %get3A_535] {strides = array<i32>} : memref<832x16xf32, #tpu.memory_space<vmem>>, vector<1x16xf32>,
        %get3A_537 = vector.shape_cast %get3A_536 : vector<1x16xf32> to vector<16xf32>
        %slice3A_538 = vector.extract_strided_slice %div3A_158 {offsets = [11], sizes = [1], strides = [1]} : vector<16xf32> to vector<1xf32>
        %squeeze3A_539 = vector.extract %slice3A_538[0] : f32 from vector<1xf32>
        %mul3A_540 = vector.broadcast %squeeze3A_539 : f32 to vector<16xf32>
        %mul3A_541 = arith.mulf %get3A_537, %mul3A_540 : vector<16xf32>
        %swap3A_542 = arith.index_cast %add3A_533 : i32 to index
        %swap3A_543 = arith.constant 0 : index
        %swap3A_544 = tpu.vector_load %arg20[%swap3A_542, %swap3A_543] {strides = array<i32>} : memref<832x16xf32, #tpu.memory_space<vmem>>, vector<1x16xf32>,
        %swap3A_545 = vector.shape_cast %swap3A_544 : vector<1x16xf32> to vector<16xf32>
        %swap3A_546 = vector.shape_cast %mul3A_541 : vector<16xf32> to vector<1x16xf32>
        tpu.vector_store %arg20[%swap3A_542, %swap3A_543], %swap3A_546 {strides = array<i32>} : memref<832x16xf32, #tpu.memory_space<vmem>>, vector<1x16xf32>,
        %slice3A_547 = vector.extract_strided_slice %select_n3A {offsets = [11], sizes = [1], strides = [1]} : vector<16xf32> to vector<1xf32>
        %squeeze3A_548 = vector.extract %slice3A_547[0] : f32 from vector<1xf32>
        %mul3A_549 = vector.broadcast %squeeze3A_548 : f32 to vector<16xf32>
        %mul3A_550 = arith.mulf %get3A_537, %mul3A_549 : vector<16xf32>
        %swap3A_551 = arith.index_cast %add3A_533 : i32 to index
        %swap3A_552 = arith.constant 0 : index
        %swap3A_553 = tpu.vector_load %arg21[%swap3A_551, %swap3A_552] {strides = array<i32>} : memref<832x16xf32, #tpu.memory_space<vmem>>, vector<1x16xf32>,
        %swap3A_554 = vector.shape_cast %swap3A_553 : vector<1x16xf32> to vector<16xf32>
        %swap3A_555 = vector.shape_cast %mul3A_550 : vector<16xf32> to vector<1x16xf32>
        tpu.vector_store %arg21[%swap3A_551, %swap3A_552], %swap3A_555 {strides = array<i32>} : memref<832x16xf32, #tpu.memory_space<vmem>>, vector<1x16xf32>,
        %slice3A_556 = vector.extract_strided_slice %select_n3A_171 {offsets = [11], sizes = [1], strides = [1]} : vector<16xf32> to vector<1xf32>
        %squeeze3A_557 = vector.extract %slice3A_556[0] : f32 from vector<1xf32>
        %mul3A_558 = vector.broadcast %squeeze3A_557 : f32 to vector<16xf32>
        %mul3A_559 = arith.mulf %get3A_537, %mul3A_558 : vector<16xf32>
        %swap3A_560 = arith.index_cast %add3A_533 : i32 to index
        %swap3A_561 = arith.constant 0 : index
        %swap3A_562 = tpu.vector_load %arg22[%swap3A_560, %swap3A_561] {strides = array<i32>} : memref<832x16xf32, #tpu.memory_space<vmem>>, vector<1x16xf32>,
        %swap3A_563 = vector.shape_cast %swap3A_562 : vector<1x16xf32> to vector<16xf32>
        %swap3A_564 = vector.shape_cast %mul3A_559 : vector<16xf32> to vector<1x16xf32>
        tpu.vector_store %arg22[%swap3A_560, %swap3A_561], %swap3A_564 {strides = array<i32>} : memref<832x16xf32, #tpu.memory_space<vmem>>, vector<1x16xf32>,
        %add3A_565 = arith.constant 12 : i32
        %add3A_566 = arith.addi %multiple_of3A, %add3A_565 : i32
        %get3A_567 = arith.index_cast %add3A_566 : i32 to index
        %get3A_568 = arith.constant 0 : index
        %get3A_569 = tpu.vector_load %arg11[%get3A_567, %get3A_568] {strides = array<i32>} : memref<832x16xf32, #tpu.memory_space<vmem>>, vector<1x16xf32>,
        %get3A_570 = vector.shape_cast %get3A_569 : vector<1x16xf32> to vector<16xf32>
        %slice3A_571 = vector.extract_strided_slice %div3A_158 {offsets = [12], sizes = [1], strides = [1]} : vector<16xf32> to vector<1xf32>
        %squeeze3A_572 = vector.extract %slice3A_571[0] : f32 from vector<1xf32>
        %mul3A_573 = vector.broadcast %squeeze3A_572 : f32 to vector<16xf32>
        %mul3A_574 = arith.mulf %get3A_570, %mul3A_573 : vector<16xf32>
        %swap3A_575 = arith.index_cast %add3A_566 : i32 to index
        %swap3A_576 = arith.constant 0 : index
        %swap3A_577 = tpu.vector_load %arg20[%swap3A_575, %swap3A_576] {strides = array<i32>} : memref<832x16xf32, #tpu.memory_space<vmem>>, vector<1x16xf32>,
        %swap3A_578 = vector.shape_cast %swap3A_577 : vector<1x16xf32> to vector<16xf32>
        %swap3A_579 = vector.shape_cast %mul3A_574 : vector<16xf32> to vector<1x16xf32>
        tpu.vector_store %arg20[%swap3A_575, %swap3A_576], %swap3A_579 {strides = array<i32>} : memref<832x16xf32, #tpu.memory_space<vmem>>, vector<1x16xf32>,
        %slice3A_580 = vector.extract_strided_slice %select_n3A {offsets = [12], sizes = [1], strides = [1]} : vector<16xf32> to vector<1xf32>
        %squeeze3A_581 = vector.extract %slice3A_580[0] : f32 from vector<1xf32>
        %mul3A_582 = vector.broadcast %squeeze3A_581 : f32 to vector<16xf32>
        %mul3A_583 = arith.mulf %get3A_570, %mul3A_582 : vector<16xf32>
        %swap3A_584 = arith.index_cast %add3A_566 : i32 to index
        %swap3A_585 = arith.constant 0 : index
        %swap3A_586 = tpu.vector_load %arg21[%swap3A_584, %swap3A_585] {strides = array<i32>} : memref<832x16xf32, #tpu.memory_space<vmem>>, vector<1x16xf32>,
        %swap3A_587 = vector.shape_cast %swap3A_586 : vector<1x16xf32> to vector<16xf32>
        %swap3A_588 = vector.shape_cast %mul3A_583 : vector<16xf32> to vector<1x16xf32>
        tpu.vector_store %arg21[%swap3A_584, %swap3A_585], %swap3A_588 {strides = array<i32>} : memref<832x16xf32, #tpu.memory_space<vmem>>, vector<1x16xf32>,
        %slice3A_589 = vector.extract_strided_slice %select_n3A_171 {offsets = [12], sizes = [1], strides = [1]} : vector<16xf32> to vector<1xf32>
        %squeeze3A_590 = vector.extract %slice3A_589[0] : f32 from vector<1xf32>
        %mul3A_591 = vector.broadcast %squeeze3A_590 : f32 to vector<16xf32>
        %mul3A_592 = arith.mulf %get3A_570, %mul3A_591 : vector<16xf32>
        %swap3A_593 = arith.index_cast %add3A_566 : i32 to index
        %swap3A_594 = arith.constant 0 : index
        %swap3A_595 = tpu.vector_load %arg22[%swap3A_593, %swap3A_594] {strides = array<i32>} : memref<832x16xf32, #tpu.memory_space<vmem>>, vector<1x16xf32>,
        %swap3A_596 = vector.shape_cast %swap3A_595 : vector<1x16xf32> to vector<16xf32>
        %swap3A_597 = vector.shape_cast %mul3A_592 : vector<16xf32> to vector<1x16xf32>
        tpu.vector_store %arg22[%swap3A_593, %swap3A_594], %swap3A_597 {strides = array<i32>} : memref<832x16xf32, #tpu.memory_space<vmem>>, vector<1x16xf32>,
        %add3A_598 = arith.constant 13 : i32
        %add3A_599 = arith.addi %multiple_of3A, %add3A_598 : i32
        %get3A_600 = arith.index_cast %add3A_599 : i32 to index
        %get3A_601 = arith.constant 0 : index
        %get3A_602 = tpu.vector_load %arg11[%get3A_600, %get3A_601] {strides = array<i32>} : memref<832x16xf32, #tpu.memory_space<vmem>>, vector<1x16xf32>,
        %get3A_603 = vector.shape_cast %get3A_602 : vector<1x16xf32> to vector<16xf32>
        %slice3A_604 = vector.extract_strided_slice %div3A_158 {offsets = [13], sizes = [1], strides = [1]} : vector<16xf32> to vector<1xf32>
        %squeeze3A_605 = vector.extract %slice3A_604[0] : f32 from vector<1xf32>
        %mul3A_606 = vector.broadcast %squeeze3A_605 : f32 to vector<16xf32>
        %mul3A_607 = arith.mulf %get3A_603, %mul3A_606 : vector<16xf32>
        %swap3A_608 = arith.index_cast %add3A_599 : i32 to index
        %swap3A_609 = arith.constant 0 : index
        %swap3A_610 = tpu.vector_load %arg20[%swap3A_608, %swap3A_609] {strides = array<i32>} : memref<832x16xf32, #tpu.memory_space<vmem>>, vector<1x16xf32>,
        %swap3A_611 = vector.shape_cast %swap3A_610 : vector<1x16xf32> to vector<16xf32>
        %swap3A_612 = vector.shape_cast %mul3A_607 : vector<16xf32> to vector<1x16xf32>
        tpu.vector_store %arg20[%swap3A_608, %swap3A_609], %swap3A_612 {strides = array<i32>} : memref<832x16xf32, #tpu.memory_space<vmem>>, vector<1x16xf32>,
        %slice3A_613 = vector.extract_strided_slice %select_n3A {offsets = [13], sizes = [1], strides = [1]} : vector<16xf32> to vector<1xf32>
        %squeeze3A_614 = vector.extract %slice3A_613[0] : f32 from vector<1xf32>
        %mul3A_615 = vector.broadcast %squeeze3A_614 : f32 to vector<16xf32>
        %mul3A_616 = arith.mulf %get3A_603, %mul3A_615 : vector<16xf32>
        %swap3A_617 = arith.index_cast %add3A_599 : i32 to index
        %swap3A_618 = arith.constant 0 : index
        %swap3A_619 = tpu.vector_load %arg21[%swap3A_617, %swap3A_618] {strides = array<i32>} : memref<832x16xf32, #tpu.memory_space<vmem>>, vector<1x16xf32>,
        %swap3A_620 = vector.shape_cast %swap3A_619 : vector<1x16xf32> to vector<16xf32>
        %swap3A_621 = vector.shape_cast %mul3A_616 : vector<16xf32> to vector<1x16xf32>
        tpu.vector_store %arg21[%swap3A_617, %swap3A_618], %swap3A_621 {strides = array<i32>} : memref<832x16xf32, #tpu.memory_space<vmem>>, vector<1x16xf32>,
        %slice3A_622 = vector.extract_strided_slice %select_n3A_171 {offsets = [13], sizes = [1], strides = [1]} : vector<16xf32> to vector<1xf32>
        %squeeze3A_623 = vector.extract %slice3A_622[0] : f32 from vector<1xf32>
        %mul3A_624 = vector.broadcast %squeeze3A_623 : f32 to vector<16xf32>
        %mul3A_625 = arith.mulf %get3A_603, %mul3A_624 : vector<16xf32>
        %swap3A_626 = arith.index_cast %add3A_599 : i32 to index
        %swap3A_627 = arith.constant 0 : index
        %swap3A_628 = tpu.vector_load %arg22[%swap3A_626, %swap3A_627] {strides = array<i32>} : memref<832x16xf32, #tpu.memory_space<vmem>>, vector<1x16xf32>,
        %swap3A_629 = vector.shape_cast %swap3A_628 : vector<1x16xf32> to vector<16xf32>
        %swap3A_630 = vector.shape_cast %mul3A_625 : vector<16xf32> to vector<1x16xf32>
        tpu.vector_store %arg22[%swap3A_626, %swap3A_627], %swap3A_630 {strides = array<i32>} : memref<832x16xf32, #tpu.memory_space<vmem>>, vector<1x16xf32>,
        %add3A_631 = arith.constant 14 : i32
        %add3A_632 = arith.addi %multiple_of3A, %add3A_631 : i32
        %get3A_633 = arith.index_cast %add3A_632 : i32 to index
        %get3A_634 = arith.constant 0 : index
        %get3A_635 = tpu.vector_load %arg11[%get3A_633, %get3A_634] {strides = array<i32>} : memref<832x16xf32, #tpu.memory_space<vmem>>, vector<1x16xf32>,
        %get3A_636 = vector.shape_cast %get3A_635 : vector<1x16xf32> to vector<16xf32>
        %slice3A_637 = vector.extract_strided_slice %div3A_158 {offsets = [14], sizes = [1], strides = [1]} : vector<16xf32> to vector<1xf32>
        %squeeze3A_638 = vector.extract %slice3A_637[0] : f32 from vector<1xf32>
        %mul3A_639 = vector.broadcast %squeeze3A_638 : f32 to vector<16xf32>
        %mul3A_640 = arith.mulf %get3A_636, %mul3A_639 : vector<16xf32>
        %swap3A_641 = arith.index_cast %add3A_632 : i32 to index
        %swap3A_642 = arith.constant 0 : index
        %swap3A_643 = tpu.vector_load %arg20[%swap3A_641, %swap3A_642] {strides = array<i32>} : memref<832x16xf32, #tpu.memory_space<vmem>>, vector<1x16xf32>,
        %swap3A_644 = vector.shape_cast %swap3A_643 : vector<1x16xf32> to vector<16xf32>
        %swap3A_645 = vector.shape_cast %mul3A_640 : vector<16xf32> to vector<1x16xf32>
        tpu.vector_store %arg20[%swap3A_641, %swap3A_642], %swap3A_645 {strides = array<i32>} : memref<832x16xf32, #tpu.memory_space<vmem>>, vector<1x16xf32>,
        %slice3A_646 = vector.extract_strided_slice %select_n3A {offsets = [14], sizes = [1], strides = [1]} : vector<16xf32> to vector<1xf32>
        %squeeze3A_647 = vector.extract %slice3A_646[0] : f32 from vector<1xf32>
        %mul3A_648 = vector.broadcast %squeeze3A_647 : f32 to vector<16xf32>
        %mul3A_649 = arith.mulf %get3A_636, %mul3A_648 : vector<16xf32>
        %swap3A_650 = arith.index_cast %add3A_632 : i32 to index
        %swap3A_651 = arith.constant 0 : index
        %swap3A_652 = tpu.vector_load %arg21[%swap3A_650, %swap3A_651] {strides = array<i32>} : memref<832x16xf32, #tpu.memory_space<vmem>>, vector<1x16xf32>,
        %swap3A_653 = vector.shape_cast %swap3A_652 : vector<1x16xf32> to vector<16xf32>
        %swap3A_654 = vector.shape_cast %mul3A_649 : vector<16xf32> to vector<1x16xf32>
        tpu.vector_store %arg21[%swap3A_650, %swap3A_651], %swap3A_654 {strides = array<i32>} : memref<832x16xf32, #tpu.memory_space<vmem>>, vector<1x16xf32>,
        %slice3A_655 = vector.extract_strided_slice %select_n3A_171 {offsets = [14], sizes = [1], strides = [1]} : vector<16xf32> to vector<1xf32>
        %squeeze3A_656 = vector.extract %slice3A_655[0] : f32 from vector<1xf32>
        %mul3A_657 = vector.broadcast %squeeze3A_656 : f32 to vector<16xf32>
        %mul3A_658 = arith.mulf %get3A_636, %mul3A_657 : vector<16xf32>
        %swap3A_659 = arith.index_cast %add3A_632 : i32 to index
        %swap3A_660 = arith.constant 0 : index
        %swap3A_661 = tpu.vector_load %arg22[%swap3A_659, %swap3A_660] {strides = array<i32>} : memref<832x16xf32, #tpu.memory_space<vmem>>, vector<1x16xf32>,
        %swap3A_662 = vector.shape_cast %swap3A_661 : vector<1x16xf32> to vector<16xf32>
        %swap3A_663 = vector.shape_cast %mul3A_658 : vector<16xf32> to vector<1x16xf32>
        tpu.vector_store %arg22[%swap3A_659, %swap3A_660], %swap3A_663 {strides = array<i32>} : memref<832x16xf32, #tpu.memory_space<vmem>>, vector<1x16xf32>,
        %add3A_664 = arith.constant 15 : i32
        %add3A_665 = arith.addi %multiple_of3A, %add3A_664 : i32
        %get3A_666 = arith.index_cast %add3A_665 : i32 to index
        %get3A_667 = arith.constant 0 : index
        %get3A_668 = tpu.vector_load %arg11[%get3A_666, %get3A_667] {strides = array<i32>} : memref<832x16xf32, #tpu.memory_space<vmem>>, vector<1x16xf32>,
        %get3A_669 = vector.shape_cast %get3A_668 : vector<1x16xf32> to vector<16xf32>
        %slice3A_670 = vector.extract_strided_slice %div3A_158 {offsets = [15], sizes = [1], strides = [1]} : vector<16xf32> to vector<1xf32>
        %squeeze3A_671 = vector.extract %slice3A_670[0] : f32 from vector<1xf32>
        %mul3A_672 = vector.broadcast %squeeze3A_671 : f32 to vector<16xf32>
        %mul3A_673 = arith.mulf %get3A_669, %mul3A_672 : vector<16xf32>
        %swap3A_674 = arith.index_cast %add3A_665 : i32 to index
        %swap3A_675 = arith.constant 0 : index
        %swap3A_676 = tpu.vector_load %arg20[%swap3A_674, %swap3A_675] {strides = array<i32>} : memref<832x16xf32, #tpu.memory_space<vmem>>, vector<1x16xf32>,
        %swap3A_677 = vector.shape_cast %swap3A_676 : vector<1x16xf32> to vector<16xf32>
        %swap3A_678 = vector.shape_cast %mul3A_673 : vector<16xf32> to vector<1x16xf32>
        tpu.vector_store %arg20[%swap3A_674, %swap3A_675], %swap3A_678 {strides = array<i32>} : memref<832x16xf32, #tpu.memory_space<vmem>>, vector<1x16xf32>,
        %slice3A_679 = vector.extract_strided_slice %select_n3A {offsets = [15], sizes = [1], strides = [1]} : vector<16xf32> to vector<1xf32>
        %squeeze3A_680 = vector.extract %slice3A_679[0] : f32 from vector<1xf32>
        %mul3A_681 = vector.broadcast %squeeze3A_680 : f32 to vector<16xf32>
        %mul3A_682 = arith.mulf %get3A_669, %mul3A_681 : vector<16xf32>
        %swap3A_683 = arith.index_cast %add3A_665 : i32 to index
        %swap3A_684 = arith.constant 0 : index
        %swap3A_685 = tpu.vector_load %arg21[%swap3A_683, %swap3A_684] {strides = array<i32>} : memref<832x16xf32, #tpu.memory_space<vmem>>, vector<1x16xf32>,
        %swap3A_686 = vector.shape_cast %swap3A_685 : vector<1x16xf32> to vector<16xf32>
        %swap3A_687 = vector.shape_cast %mul3A_682 : vector<16xf32> to vector<1x16xf32>
        tpu.vector_store %arg21[%swap3A_683, %swap3A_684], %swap3A_687 {strides = array<i32>} : memref<832x16xf32, #tpu.memory_space<vmem>>, vector<1x16xf32>,
        %slice3A_688 = vector.extract_strided_slice %select_n3A_171 {offsets = [15], sizes = [1], strides = [1]} : vector<16xf32> to vector<1xf32>
        %squeeze3A_689 = vector.extract %slice3A_688[0] : f32 from vector<1xf32>
        %mul3A_690 = vector.broadcast %squeeze3A_689 : f32 to vector<16xf32>
        %mul3A_691 = arith.mulf %get3A_669, %mul3A_690 : vector<16xf32>
        %swap3A_692 = arith.index_cast %add3A_665 : i32 to index
        %swap3A_693 = arith.constant 0 : index
        %swap3A_694 = tpu.vector_load %arg22[%swap3A_692, %swap3A_693] {strides = array<i32>} : memref<832x16xf32, #tpu.memory_space<vmem>>, vector<1x16xf32>,
        %swap3A_695 = vector.shape_cast %swap3A_694 : vector<1x16xf32> to vector<16xf32>
        %swap3A_696 = vector.shape_cast %mul3A_691 : vector<16xf32> to vector<1x16xf32>
        tpu.vector_store %arg22[%swap3A_692, %swap3A_693], %swap3A_696 {strides = array<i32>} : memref<832x16xf32, #tpu.memory_space<vmem>>, vector<1x16xf32>,
      }
      %scan3A_74 = arith.constant 52 : i32
      %mul3A_75 = arith.constant 832 : i32
      %mul3A_76 = arith.muli %mul3A_43, %mul3A_75 : i32
      %add3A_77 = arith.addi %mul3A_2, %mul3A_76 : i32
      %dma_start3A_78 = arith.constant 0 : i32
      %dma_start3A_79 = tpu.memref_slice %arg7[%add3A_77, %dma_start3A_78] : memref<425984x16xf32, #tpu.memory_space<hbm>> -> memref<832x16xf32, #tpu.memory_space<hbm>>
      %dma_start3A_80 = arith.constant 0 : i32
      %dma_start3A_81 = tpu.memref_slice %arg7[%add3A_77, %dma_start3A_80] : memref<425984x16xf32, #tpu.memory_space<hbm>> -> memref<832x16xf32, #tpu.memory_space<hbm>>
      tpu.enqueue_dma source(%arg20 : memref<832x16xf32, #tpu.memory_space<vmem>>) target(%dma_start3A_81 : memref<832x16xf32, #tpu.memory_space<hbm>>) target_semaphore(%arg28 : memref<!tpu.dma_semaphore, #tpu.memory_space<semaphore_mem>>)
      %dma_start3A_82 = arith.constant 0 : i32
      %dma_start3A_83 = tpu.memref_slice %arg8[%add3A_77, %dma_start3A_82] : memref<425984x16xf32, #tpu.memory_space<hbm>> -> memref<832x16xf32, #tpu.memory_space<hbm>>
      %dma_start3A_84 = arith.constant 0 : i32
      %dma_start3A_85 = tpu.memref_slice %arg8[%add3A_77, %dma_start3A_84] : memref<425984x16xf32, #tpu.memory_space<hbm>> -> memref<832x16xf32, #tpu.memory_space<hbm>>
      tpu.enqueue_dma source(%arg21 : memref<832x16xf32, #tpu.memory_space<vmem>>) target(%dma_start3A_85 : memref<832x16xf32, #tpu.memory_space<hbm>>) target_semaphore(%arg28 : memref<!tpu.dma_semaphore, #tpu.memory_space<semaphore_mem>>)
      %dma_start3A_86 = arith.constant 0 : i32
      %dma_start3A_87 = tpu.memref_slice %arg9[%add3A_77, %dma_start3A_86] : memref<425984x16xf32, #tpu.memory_space<hbm>> -> memref<832x16xf32, #tpu.memory_space<hbm>>
      %dma_start3A_88 = arith.constant 0 : i32
      %dma_start3A_89 = tpu.memref_slice %arg9[%add3A_77, %dma_start3A_88] : memref<425984x16xf32, #tpu.memory_space<hbm>> -> memref<832x16xf32, #tpu.memory_space<hbm>>
      tpu.enqueue_dma source(%arg22 : memref<832x16xf32, #tpu.memory_space<vmem>>) target(%dma_start3A_89 : memref<832x16xf32, #tpu.memory_space<hbm>>) target_semaphore(%arg28 : memref<!tpu.dma_semaphore, #tpu.memory_space<semaphore_mem>>)
      %add3A_90 = arith.constant 1 : i32
      %add3A_91 = arith.addi %scan3A_41, %add3A_90 : i32
      %lt3A = arith.constant 8 : i32
      %lt3A_92 = arith.cmpi slt, %add3A_91, %lt3A : i32
      %convert_element_type3A_93 = arith.extui %lt3A_92 : i1 to i32
      %cond3A_94 = arith.constant 0 : i32
      %cond3A_95 = arith.cmpi ne, %convert_element_type3A_93, %cond3A_94 : i32
      scf.if %cond3A_95 {
        %add3A_131 = arith.constant 2 : i32
        %add3A_132 = arith.addi %mul3A_43, %add3A_131 : i32
        %mul3A_133 = arith.constant 832 : i32
        %mul3A_134 = arith.muli %add3A_132, %mul3A_133 : i32
        %add3A_135 = arith.addi %mul3A_2, %mul3A_134 : i32
        "tpu.region"() ({
          %run_scoped3A = tpu.sem_alloc : memref<!tpu.dma_semaphore, #tpu.memory_space<semaphore_mem>>
          %dma_start3A_145 = tpu.memref_slice %arg2[%add3A_135] : memref<425984xi32, #tpu.memory_space<hbm>> -> memref<832xi32, #tpu.memory_space<hbm>>
          %dma_start3A_146 = tpu.memref_slice %arg2[%add3A_135] : memref<425984xi32, #tpu.memory_space<hbm>> -> memref<832xi32, #tpu.memory_space<hbm>>
          tpu.enqueue_dma source(%dma_start3A_146 : memref<832xi32, #tpu.memory_space<hbm>>) target(%arg10 : memref<832xi32, #tpu.memory_space<vmem>>) target_semaphore(%run_scoped3A : memref<!tpu.dma_semaphore, #tpu.memory_space<semaphore_mem>>)
          %dma_wait3A_147 = tpu.memref_slice %arg2[%add3A_135] : memref<425984xi32, #tpu.memory_space<hbm>> -> memref<832xi32, #tpu.memory_space<hbm>>
          %dma_wait3A_148 = tpu.memref_slice %arg2[%add3A_135] : memref<425984xi32, #tpu.memory_space<hbm>> -> memref<832xi32, #tpu.memory_space<hbm>>
          tpu.wait_dma2 semaphore(%run_scoped3A : memref<!tpu.dma_semaphore, #tpu.memory_space<semaphore_mem>>) src(%dma_wait3A_148 : memref<832xi32, #tpu.memory_space<hbm>>) dst(%arg10 : memref<832xi32, #tpu.memory_space<vmem>>)
          tpu.yield
        }) : () -> ()
        %dma_start3A_136 = arith.constant 0 : i32
        %dma_start3A_137 = arith.constant 0 : i32
        %dma_start3A_138 = tpu.memref_slice %arg3[%dma_start3A_136, %dma_start3A_137] : memref<1000000x16xf32, #tpu.memory_space<hbm>> -> memref<1000000x16xf32, #tpu.memory_space<hbm>>
        tpu.enqueue_indirect_dma source(%dma_start3A_138 : memref<1000000x16xf32, #tpu.memory_space<hbm>>) target(%arg11 : memref<832x16xf32, #tpu.memory_space<vmem>>) offsets(%arg10 : memref<832xi32, #tpu.memory_space<vmem>>) semaphore(%arg26 : memref<!tpu.dma_semaphore, #tpu.memory_space<semaphore_mem>>)
        %dma_start3A_139 = arith.constant 0 : i32
        %dma_start3A_140 = tpu.memref_slice %arg4[%dma_start3A_139] : memref<1000000xf32, #tpu.memory_space<hbm>> -> memref<1000000xf32, #tpu.memory_space<hbm>>
        tpu.enqueue_indirect_dma source(%dma_start3A_140 : memref<1000000xf32, #tpu.memory_space<hbm>>) target(%arg12 : memref<832xf32, #tpu.memory_space<vmem>>) offsets(%arg10 : memref<832xi32, #tpu.memory_space<vmem>>) semaphore(%arg26 : memref<!tpu.dma_semaphore, #tpu.memory_space<semaphore_mem>>)
        %dma_start3A_141 = arith.constant 0 : i32
        %dma_start3A_142 = tpu.memref_slice %arg5[%dma_start3A_141] : memref<1000000xf32, #tpu.memory_space<hbm>> -> memref<1000000xf32, #tpu.memory_space<hbm>>
        tpu.enqueue_indirect_dma source(%dma_start3A_142 : memref<1000000xf32, #tpu.memory_space<hbm>>) target(%arg13 : memref<832xf32, #tpu.memory_space<vmem>>) offsets(%arg10 : memref<832xi32, #tpu.memory_space<vmem>>) semaphore(%arg26 : memref<!tpu.dma_semaphore, #tpu.memory_space<semaphore_mem>>)
        %dma_start3A_143 = arith.constant 0 : i32
        %dma_start3A_144 = tpu.memref_slice %arg6[%dma_start3A_143] : memref<1000000xf32, #tpu.memory_space<hbm>> -> memref<1000000xf32, #tpu.memory_space<hbm>>
        tpu.enqueue_indirect_dma source(%dma_start3A_144 : memref<1000000xf32, #tpu.memory_space<hbm>>) target(%arg14 : memref<832xf32, #tpu.memory_space<vmem>>) offsets(%arg10 : memref<832xi32, #tpu.memory_space<vmem>>) semaphore(%arg26 : memref<!tpu.dma_semaphore, #tpu.memory_space<semaphore_mem>>)
      } else {
      }
      %ge3A_96 = arith.constant 1 : i32
      %ge3A_97 = arith.cmpi sge, %scan3A_41, %ge3A_96 : i32
      %convert_element_type3A_98 = arith.extui %ge3A_97 : i1 to i32
      %cond3A_99 = arith.constant 0 : i32
      %cond3A_100 = arith.cmpi ne, %convert_element_type3A_98, %cond3A_99 : i32
      scf.if %cond3A_100 {
        %dma_wait3A_131 = arith.constant 0 : i32
        %dma_wait3A_132 = tpu.memref_slice %arg7[%mul3A_2, %dma_wait3A_131] : memref<425984x16xf32, #tpu.memory_space<hbm>> -> memref<832x16xf32, #tpu.memory_space<hbm>>
        %dma_wait3A_133 = arith.constant 0 : i32
        %dma_wait3A_134 = tpu.memref_slice %arg7[%mul3A_2, %dma_wait3A_133] : memref<425984x16xf32, #tpu.memory_space<hbm>> -> memref<832x16xf32, #tpu.memory_space<hbm>>
        tpu.wait_dma2 semaphore(%arg29 : memref<!tpu.dma_semaphore, #tpu.memory_space<semaphore_mem>>) src(%arg23 : memref<832x16xf32, #tpu.memory_space<vmem>>) dst(%dma_wait3A_134 : memref<832x16xf32, #tpu.memory_space<hbm>>)
        %dma_wait3A_135 = arith.constant 0 : i32
        %dma_wait3A_136 = tpu.memref_slice %arg8[%mul3A_2, %dma_wait3A_135] : memref<425984x16xf32, #tpu.memory_space<hbm>> -> memref<832x16xf32, #tpu.memory_space<hbm>>
        %dma_wait3A_137 = arith.constant 0 : i32
        %dma_wait3A_138 = tpu.memref_slice %arg8[%mul3A_2, %dma_wait3A_137] : memref<425984x16xf32, #tpu.memory_space<hbm>> -> memref<832x16xf32, #tpu.memory_space<hbm>>
        tpu.wait_dma2 semaphore(%arg29 : memref<!tpu.dma_semaphore, #tpu.memory_space<semaphore_mem>>) src(%arg24 : memref<832x16xf32, #tpu.memory_space<vmem>>) dst(%dma_wait3A_138 : memref<832x16xf32, #tpu.memory_space<hbm>>)
        %dma_wait3A_139 = arith.constant 0 : i32
        %dma_wait3A_140 = tpu.memref_slice %arg9[%mul3A_2, %dma_wait3A_139] : memref<425984x16xf32, #tpu.memory_space<hbm>> -> memref<832x16xf32, #tpu.memory_space<hbm>>
        %dma_wait3A_141 = arith.constant 0 : i32
        %dma_wait3A_142 = tpu.memref_slice %arg9[%mul3A_2, %dma_wait3A_141] : memref<425984x16xf32, #tpu.memory_space<hbm>> -> memref<832x16xf32, #tpu.memory_space<hbm>>
        tpu.wait_dma2 semaphore(%arg29 : memref<!tpu.dma_semaphore, #tpu.memory_space<semaphore_mem>>) src(%arg25 : memref<832x16xf32, #tpu.memory_space<vmem>>) dst(%dma_wait3A_142 : memref<832x16xf32, #tpu.memory_space<hbm>>)
      } else {
      }
      %dma_wait3A_101 = arith.constant 0 : i32
      %dma_wait3A_102 = arith.constant 0 : i32
      %dma_wait3A_103 = tpu.memref_slice %arg3[%dma_wait3A_101, %dma_wait3A_102] : memref<1000000x16xf32, #tpu.memory_space<hbm>> -> memref<1000000x16xf32, #tpu.memory_space<hbm>>
      tpu.wait_indirect_dma semaphore(%arg27 : memref<!tpu.dma_semaphore, #tpu.memory_space<semaphore_mem>>) src(%dma_wait3A_103 : memref<1000000x16xf32, #tpu.memory_space<hbm>>) dst(%arg16 : memref<832x16xf32, #tpu.memory_space<vmem>>)
      %dma_wait3A_104 = arith.constant 0 : i32
      %dma_wait3A_105 = tpu.memref_slice %arg4[%dma_wait3A_104] : memref<1000000xf32, #tpu.memory_space<hbm>> -> memref<1000000xf32, #tpu.memory_space<hbm>>
      tpu.wait_indirect_dma semaphore(%arg27 : memref<!tpu.dma_semaphore, #tpu.memory_space<semaphore_mem>>) src(%dma_wait3A_105 : memref<1000000xf32, #tpu.memory_space<hbm>>) dst(%arg17 : memref<832xf32, #tpu.memory_space<vmem>>)
      %dma_wait3A_106 = arith.constant 0 : i32
      %dma_wait3A_107 = tpu.memref_slice %arg5[%dma_wait3A_106] : memref<1000000xf32, #tpu.memory_space<hbm>> -> memref<1000000xf32, #tpu.memory_space<hbm>>
      tpu.wait_indirect_dma semaphore(%arg27 : memref<!tpu.dma_semaphore, #tpu.memory_space<semaphore_mem>>) src(%dma_wait3A_107 : memref<1000000xf32, #tpu.memory_space<hbm>>) dst(%arg18 : memref<832xf32, #tpu.memory_space<vmem>>)
      %dma_wait3A_108 = arith.constant 0 : i32
      %dma_wait3A_109 = tpu.memref_slice %arg6[%dma_wait3A_108] : memref<1000000xf32, #tpu.memory_space<hbm>> -> memref<1000000xf32, #tpu.memory_space<hbm>>
      tpu.wait_indirect_dma semaphore(%arg27 : memref<!tpu.dma_semaphore, #tpu.memory_space<semaphore_mem>>) src(%dma_wait3A_109 : memref<1000000xf32, #tpu.memory_space<hbm>>) dst(%arg19 : memref<832xf32, #tpu.memory_space<vmem>>)
      %scan3A_110 = arith.constant 0 : i32
      %scan3A_111 = arith.constant 0 : i32
      %scan3A_112 = arith.constant 52 : i32
      %scan3A_113 = arith.addi %scan3A_111, %scan3A_112 : i32
      %scan3A_114 = arith.constant 1 : i32
      scf.for %scan3A_131 = %scan3A_111 to %scan3A_113 step %scan3A_114  : i32 {
        %mul3A_132 = arith.constant 16 : i32
        %mul3A_133 = arith.muli %scan3A_131, %mul3A_132 : i32
        %multiple_of3A = tpu.assume_multiple %mul3A_133, 16 : i32
        %get3A = arith.index_cast %multiple_of3A : i32 to index
        %get3A_134 = tpu.vector_load %arg17[%get3A] {strides = array<i32>} : memref<832xf32, #tpu.memory_space<vmem>>, vector<16xf32>,
        %get3A_135 = vector.shape_cast %get3A_134 : vector<16xf32> to vector<16xf32>
        %get3A_136 = arith.index_cast %multiple_of3A : i32 to index
        %get3A_137 = tpu.vector_load %arg18[%get3A_136] {strides = array<i32>} : memref<832xf32, #tpu.memory_space<vmem>>, vector<16xf32>,
        %get3A_138 = vector.shape_cast %get3A_137 : vector<16xf32> to vector<16xf32>
        %get3A_139 = arith.index_cast %multiple_of3A : i32 to index
        %get3A_140 = tpu.vector_load %arg19[%get3A_139] {strides = array<i32>} : memref<832xf32, #tpu.memory_space<vmem>>, vector<16xf32>,
        %get3A_141 = vector.shape_cast %get3A_140 : vector<16xf32> to vector<16xf32>
        %neg3A = arith.constant 0.000000e+00 : f32
        %neg3A_142 = vector.broadcast %neg3A : f32 to vector<16xf32>
        %neg3A_143 = arith.subf %neg3A_142, %get3A_135 : vector<16xf32>
        %exp3A = math.exp %neg3A_143 : vector<16xf32>
        %add3A_144 = arith.constant 1.000000e+00 : f32
        %add3A_145 = vector.broadcast %add3A_144 : f32 to vector<16xf32>
        %add3A_146 = arith.addf %add3A_145, %exp3A : vector<16xf32>
        %div3A = arith.constant 2.000000e+00 : f32
        %div3A_147 = vector.broadcast %div3A : f32 to vector<16xf32>
        %div3A_148 = arith.divf %div3A_147, %add3A_146 : vector<16xf32>
        %neg3A_149 = arith.constant 0.000000e+00 : f32
        %neg3A_150 = vector.broadcast %neg3A_149 : f32 to vector<16xf32>
        %neg3A_151 = arith.subf %neg3A_150, %get3A_138 : vector<16xf32>
        %exp3A_152 = math.exp %neg3A_151 : vector<16xf32>
        %add3A_153 = arith.constant 1.000000e+00 : f32
        %add3A_154 = vector.broadcast %add3A_153 : f32 to vector<16xf32>
        %add3A_155 = arith.addf %add3A_154, %exp3A_152 : vector<16xf32>
        %div3A_156 = arith.constant 2.000000e+00 : f32
        %div3A_157 = vector.broadcast %div3A_156 : f32 to vector<16xf32>
        %div3A_158 = arith.divf %div3A_157, %add3A_155 : vector<16xf32>
        %neg3A_159 = arith.constant 0.000000e+00 : f32
        %neg3A_160 = vector.broadcast %neg3A_159 : f32 to vector<16xf32>
        %neg3A_161 = arith.subf %neg3A_160, %get3A_141 : vector<16xf32>
        %exp3A_162 = math.exp %neg3A_161 : vector<16xf32>
        %add3A_163 = arith.constant 1.000000e+00 : f32
        %add3A_164 = vector.broadcast %add3A_163 : f32 to vector<16xf32>
        %add3A_165 = arith.addf %add3A_164, %exp3A_162 : vector<16xf32>
        %div3A_166 = arith.constant 2.000000e+00 : f32
        %div3A_167 = vector.broadcast %div3A_166 : f32 to vector<16xf32>
        %div3A_168 = arith.divf %div3A_167, %add3A_165 : vector<16xf32>
        %gt3A = arith.constant 1.000000e+00 : f32
        %gt3A_169 = vector.broadcast %gt3A : f32 to vector<16xf32>
        %gt3A_170 = arith.cmpf ogt, %div3A_158, %gt3A_169 : vector<16xf32>
        %select_n3A = arith.select %gt3A_170, %div3A_158, %div3A_148 : vector<16xi1>, vector<16xf32>
        %select_n3A_171 = arith.select %gt3A_170, %div3A_158, %div3A_168 : vector<16xi1>, vector<16xf32>
        %add3A_172 = arith.constant 0 : i32
        %add3A_173 = arith.addi %multiple_of3A, %add3A_172 : i32
        %get3A_174 = arith.index_cast %add3A_173 : i32 to index
        %get3A_175 = arith.constant 0 : index
        %get3A_176 = tpu.vector_load %arg16[%get3A_174, %get3A_175] {strides = array<i32>} : memref<832x16xf32, #tpu.memory_space<vmem>>, vector<1x16xf32>,
        %get3A_177 = vector.shape_cast %get3A_176 : vector<1x16xf32> to vector<16xf32>
        %slice3A = vector.extract_strided_slice %div3A_158 {offsets = [0], sizes = [1], strides = [1]} : vector<16xf32> to vector<1xf32>
        %squeeze3A = vector.extract %slice3A[0] : f32 from vector<1xf32>
        %mul3A_178 = vector.broadcast %squeeze3A : f32 to vector<16xf32>
        %mul3A_179 = arith.mulf %get3A_177, %mul3A_178 : vector<16xf32>
        %swap3A = arith.index_cast %add3A_173 : i32 to index
        %swap3A_180 = arith.constant 0 : index
        %swap3A_181 = tpu.vector_load %arg23[%swap3A, %swap3A_180] {strides = array<i32>} : memref<832x16xf32, #tpu.memory_space<vmem>>, vector<1x16xf32>,
        %swap3A_182 = vector.shape_cast %swap3A_181 : vector<1x16xf32> to vector<16xf32>
        %swap3A_183 = vector.shape_cast %mul3A_179 : vector<16xf32> to vector<1x16xf32>
        tpu.vector_store %arg23[%swap3A, %swap3A_180], %swap3A_183 {strides = array<i32>} : memref<832x16xf32, #tpu.memory_space<vmem>>, vector<1x16xf32>,
        %slice3A_184 = vector.extract_strided_slice %select_n3A {offsets = [0], sizes = [1], strides = [1]} : vector<16xf32> to vector<1xf32>
        %squeeze3A_185 = vector.extract %slice3A_184[0] : f32 from vector<1xf32>
        %mul3A_186 = vector.broadcast %squeeze3A_185 : f32 to vector<16xf32>
        %mul3A_187 = arith.mulf %get3A_177, %mul3A_186 : vector<16xf32>
        %swap3A_188 = arith.index_cast %add3A_173 : i32 to index
        %swap3A_189 = arith.constant 0 : index
        %swap3A_190 = tpu.vector_load %arg24[%swap3A_188, %swap3A_189] {strides = array<i32>} : memref<832x16xf32, #tpu.memory_space<vmem>>, vector<1x16xf32>,
        %swap3A_191 = vector.shape_cast %swap3A_190 : vector<1x16xf32> to vector<16xf32>
        %swap3A_192 = vector.shape_cast %mul3A_187 : vector<16xf32> to vector<1x16xf32>
        tpu.vector_store %arg24[%swap3A_188, %swap3A_189], %swap3A_192 {strides = array<i32>} : memref<832x16xf32, #tpu.memory_space<vmem>>, vector<1x16xf32>,
        %slice3A_193 = vector.extract_strided_slice %select_n3A_171 {offsets = [0], sizes = [1], strides = [1]} : vector<16xf32> to vector<1xf32>
        %squeeze3A_194 = vector.extract %slice3A_193[0] : f32 from vector<1xf32>
        %mul3A_195 = vector.broadcast %squeeze3A_194 : f32 to vector<16xf32>
        %mul3A_196 = arith.mulf %get3A_177, %mul3A_195 : vector<16xf32>
        %swap3A_197 = arith.index_cast %add3A_173 : i32 to index
        %swap3A_198 = arith.constant 0 : index
        %swap3A_199 = tpu.vector_load %arg25[%swap3A_197, %swap3A_198] {strides = array<i32>} : memref<832x16xf32, #tpu.memory_space<vmem>>, vector<1x16xf32>,
        %swap3A_200 = vector.shape_cast %swap3A_199 : vector<1x16xf32> to vector<16xf32>
        %swap3A_201 = vector.shape_cast %mul3A_196 : vector<16xf32> to vector<1x16xf32>
        tpu.vector_store %arg25[%swap3A_197, %swap3A_198], %swap3A_201 {strides = array<i32>} : memref<832x16xf32, #tpu.memory_space<vmem>>, vector<1x16xf32>,
        %add3A_202 = arith.constant 1 : i32
        %add3A_203 = arith.addi %multiple_of3A, %add3A_202 : i32
        %get3A_204 = arith.index_cast %add3A_203 : i32 to index
        %get3A_205 = arith.constant 0 : index
        %get3A_206 = tpu.vector_load %arg16[%get3A_204, %get3A_205] {strides = array<i32>} : memref<832x16xf32, #tpu.memory_space<vmem>>, vector<1x16xf32>,
        %get3A_207 = vector.shape_cast %get3A_206 : vector<1x16xf32> to vector<16xf32>
        %slice3A_208 = vector.extract_strided_slice %div3A_158 {offsets = [1], sizes = [1], strides = [1]} : vector<16xf32> to vector<1xf32>
        %squeeze3A_209 = vector.extract %slice3A_208[0] : f32 from vector<1xf32>
        %mul3A_210 = vector.broadcast %squeeze3A_209 : f32 to vector<16xf32>
        %mul3A_211 = arith.mulf %get3A_207, %mul3A_210 : vector<16xf32>
        %swap3A_212 = arith.index_cast %add3A_203 : i32 to index
        %swap3A_213 = arith.constant 0 : index
        %swap3A_214 = tpu.vector_load %arg23[%swap3A_212, %swap3A_213] {strides = array<i32>} : memref<832x16xf32, #tpu.memory_space<vmem>>, vector<1x16xf32>,
        %swap3A_215 = vector.shape_cast %swap3A_214 : vector<1x16xf32> to vector<16xf32>
        %swap3A_216 = vector.shape_cast %mul3A_211 : vector<16xf32> to vector<1x16xf32>
        tpu.vector_store %arg23[%swap3A_212, %swap3A_213], %swap3A_216 {strides = array<i32>} : memref<832x16xf32, #tpu.memory_space<vmem>>, vector<1x16xf32>,
        %slice3A_217 = vector.extract_strided_slice %select_n3A {offsets = [1], sizes = [1], strides = [1]} : vector<16xf32> to vector<1xf32>
        %squeeze3A_218 = vector.extract %slice3A_217[0] : f32 from vector<1xf32>
        %mul3A_219 = vector.broadcast %squeeze3A_218 : f32 to vector<16xf32>
        %mul3A_220 = arith.mulf %get3A_207, %mul3A_219 : vector<16xf32>
        %swap3A_221 = arith.index_cast %add3A_203 : i32 to index
        %swap3A_222 = arith.constant 0 : index
        %swap3A_223 = tpu.vector_load %arg24[%swap3A_221, %swap3A_222] {strides = array<i32>} : memref<832x16xf32, #tpu.memory_space<vmem>>, vector<1x16xf32>,
        %swap3A_224 = vector.shape_cast %swap3A_223 : vector<1x16xf32> to vector<16xf32>
        %swap3A_225 = vector.shape_cast %mul3A_220 : vector<16xf32> to vector<1x16xf32>
        tpu.vector_store %arg24[%swap3A_221, %swap3A_222], %swap3A_225 {strides = array<i32>} : memref<832x16xf32, #tpu.memory_space<vmem>>, vector<1x16xf32>,
        %slice3A_226 = vector.extract_strided_slice %select_n3A_171 {offsets = [1], sizes = [1], strides = [1]} : vector<16xf32> to vector<1xf32>
        %squeeze3A_227 = vector.extract %slice3A_226[0] : f32 from vector<1xf32>
        %mul3A_228 = vector.broadcast %squeeze3A_227 : f32 to vector<16xf32>
        %mul3A_229 = arith.mulf %get3A_207, %mul3A_228 : vector<16xf32>
        %swap3A_230 = arith.index_cast %add3A_203 : i32 to index
        %swap3A_231 = arith.constant 0 : index
        %swap3A_232 = tpu.vector_load %arg25[%swap3A_230, %swap3A_231] {strides = array<i32>} : memref<832x16xf32, #tpu.memory_space<vmem>>, vector<1x16xf32>,
        %swap3A_233 = vector.shape_cast %swap3A_232 : vector<1x16xf32> to vector<16xf32>
        %swap3A_234 = vector.shape_cast %mul3A_229 : vector<16xf32> to vector<1x16xf32>
        tpu.vector_store %arg25[%swap3A_230, %swap3A_231], %swap3A_234 {strides = array<i32>} : memref<832x16xf32, #tpu.memory_space<vmem>>, vector<1x16xf32>,
        %add3A_235 = arith.constant 2 : i32
        %add3A_236 = arith.addi %multiple_of3A, %add3A_235 : i32
        %get3A_237 = arith.index_cast %add3A_236 : i32 to index
        %get3A_238 = arith.constant 0 : index
        %get3A_239 = tpu.vector_load %arg16[%get3A_237, %get3A_238] {strides = array<i32>} : memref<832x16xf32, #tpu.memory_space<vmem>>, vector<1x16xf32>,
        %get3A_240 = vector.shape_cast %get3A_239 : vector<1x16xf32> to vector<16xf32>
        %slice3A_241 = vector.extract_strided_slice %div3A_158 {offsets = [2], sizes = [1], strides = [1]} : vector<16xf32> to vector<1xf32>
        %squeeze3A_242 = vector.extract %slice3A_241[0] : f32 from vector<1xf32>
        %mul3A_243 = vector.broadcast %squeeze3A_242 : f32 to vector<16xf32>
        %mul3A_244 = arith.mulf %get3A_240, %mul3A_243 : vector<16xf32>
        %swap3A_245 = arith.index_cast %add3A_236 : i32 to index
        %swap3A_246 = arith.constant 0 : index
        %swap3A_247 = tpu.vector_load %arg23[%swap3A_245, %swap3A_246] {strides = array<i32>} : memref<832x16xf32, #tpu.memory_space<vmem>>, vector<1x16xf32>,
        %swap3A_248 = vector.shape_cast %swap3A_247 : vector<1x16xf32> to vector<16xf32>
        %swap3A_249 = vector.shape_cast %mul3A_244 : vector<16xf32> to vector<1x16xf32>
        tpu.vector_store %arg23[%swap3A_245, %swap3A_246], %swap3A_249 {strides = array<i32>} : memref<832x16xf32, #tpu.memory_space<vmem>>, vector<1x16xf32>,
        %slice3A_250 = vector.extract_strided_slice %select_n3A {offsets = [2], sizes = [1], strides = [1]} : vector<16xf32> to vector<1xf32>
        %squeeze3A_251 = vector.extract %slice3A_250[0] : f32 from vector<1xf32>
        %mul3A_252 = vector.broadcast %squeeze3A_251 : f32 to vector<16xf32>
        %mul3A_253 = arith.mulf %get3A_240, %mul3A_252 : vector<16xf32>
        %swap3A_254 = arith.index_cast %add3A_236 : i32 to index
        %swap3A_255 = arith.constant 0 : index
        %swap3A_256 = tpu.vector_load %arg24[%swap3A_254, %swap3A_255] {strides = array<i32>} : memref<832x16xf32, #tpu.memory_space<vmem>>, vector<1x16xf32>,
        %swap3A_257 = vector.shape_cast %swap3A_256 : vector<1x16xf32> to vector<16xf32>
        %swap3A_258 = vector.shape_cast %mul3A_253 : vector<16xf32> to vector<1x16xf32>
        tpu.vector_store %arg24[%swap3A_254, %swap3A_255], %swap3A_258 {strides = array<i32>} : memref<832x16xf32, #tpu.memory_space<vmem>>, vector<1x16xf32>,
        %slice3A_259 = vector.extract_strided_slice %select_n3A_171 {offsets = [2], sizes = [1], strides = [1]} : vector<16xf32> to vector<1xf32>
        %squeeze3A_260 = vector.extract %slice3A_259[0] : f32 from vector<1xf32>
        %mul3A_261 = vector.broadcast %squeeze3A_260 : f32 to vector<16xf32>
        %mul3A_262 = arith.mulf %get3A_240, %mul3A_261 : vector<16xf32>
        %swap3A_263 = arith.index_cast %add3A_236 : i32 to index
        %swap3A_264 = arith.constant 0 : index
        %swap3A_265 = tpu.vector_load %arg25[%swap3A_263, %swap3A_264] {strides = array<i32>} : memref<832x16xf32, #tpu.memory_space<vmem>>, vector<1x16xf32>,
        %swap3A_266 = vector.shape_cast %swap3A_265 : vector<1x16xf32> to vector<16xf32>
        %swap3A_267 = vector.shape_cast %mul3A_262 : vector<16xf32> to vector<1x16xf32>
        tpu.vector_store %arg25[%swap3A_263, %swap3A_264], %swap3A_267 {strides = array<i32>} : memref<832x16xf32, #tpu.memory_space<vmem>>, vector<1x16xf32>,
        %add3A_268 = arith.constant 3 : i32
        %add3A_269 = arith.addi %multiple_of3A, %add3A_268 : i32
        %get3A_270 = arith.index_cast %add3A_269 : i32 to index
        %get3A_271 = arith.constant 0 : index
        %get3A_272 = tpu.vector_load %arg16[%get3A_270, %get3A_271] {strides = array<i32>} : memref<832x16xf32, #tpu.memory_space<vmem>>, vector<1x16xf32>,
        %get3A_273 = vector.shape_cast %get3A_272 : vector<1x16xf32> to vector<16xf32>
        %slice3A_274 = vector.extract_strided_slice %div3A_158 {offsets = [3], sizes = [1], strides = [1]} : vector<16xf32> to vector<1xf32>
        %squeeze3A_275 = vector.extract %slice3A_274[0] : f32 from vector<1xf32>
        %mul3A_276 = vector.broadcast %squeeze3A_275 : f32 to vector<16xf32>
        %mul3A_277 = arith.mulf %get3A_273, %mul3A_276 : vector<16xf32>
        %swap3A_278 = arith.index_cast %add3A_269 : i32 to index
        %swap3A_279 = arith.constant 0 : index
        %swap3A_280 = tpu.vector_load %arg23[%swap3A_278, %swap3A_279] {strides = array<i32>} : memref<832x16xf32, #tpu.memory_space<vmem>>, vector<1x16xf32>,
        %swap3A_281 = vector.shape_cast %swap3A_280 : vector<1x16xf32> to vector<16xf32>
        %swap3A_282 = vector.shape_cast %mul3A_277 : vector<16xf32> to vector<1x16xf32>
        tpu.vector_store %arg23[%swap3A_278, %swap3A_279], %swap3A_282 {strides = array<i32>} : memref<832x16xf32, #tpu.memory_space<vmem>>, vector<1x16xf32>,
        %slice3A_283 = vector.extract_strided_slice %select_n3A {offsets = [3], sizes = [1], strides = [1]} : vector<16xf32> to vector<1xf32>
        %squeeze3A_284 = vector.extract %slice3A_283[0] : f32 from vector<1xf32>
        %mul3A_285 = vector.broadcast %squeeze3A_284 : f32 to vector<16xf32>
        %mul3A_286 = arith.mulf %get3A_273, %mul3A_285 : vector<16xf32>
        %swap3A_287 = arith.index_cast %add3A_269 : i32 to index
        %swap3A_288 = arith.constant 0 : index
        %swap3A_289 = tpu.vector_load %arg24[%swap3A_287, %swap3A_288] {strides = array<i32>} : memref<832x16xf32, #tpu.memory_space<vmem>>, vector<1x16xf32>,
        %swap3A_290 = vector.shape_cast %swap3A_289 : vector<1x16xf32> to vector<16xf32>
        %swap3A_291 = vector.shape_cast %mul3A_286 : vector<16xf32> to vector<1x16xf32>
        tpu.vector_store %arg24[%swap3A_287, %swap3A_288], %swap3A_291 {strides = array<i32>} : memref<832x16xf32, #tpu.memory_space<vmem>>, vector<1x16xf32>,
        %slice3A_292 = vector.extract_strided_slice %select_n3A_171 {offsets = [3], sizes = [1], strides = [1]} : vector<16xf32> to vector<1xf32>
        %squeeze3A_293 = vector.extract %slice3A_292[0] : f32 from vector<1xf32>
        %mul3A_294 = vector.broadcast %squeeze3A_293 : f32 to vector<16xf32>
        %mul3A_295 = arith.mulf %get3A_273, %mul3A_294 : vector<16xf32>
        %swap3A_296 = arith.index_cast %add3A_269 : i32 to index
        %swap3A_297 = arith.constant 0 : index
        %swap3A_298 = tpu.vector_load %arg25[%swap3A_296, %swap3A_297] {strides = array<i32>} : memref<832x16xf32, #tpu.memory_space<vmem>>, vector<1x16xf32>,
        %swap3A_299 = vector.shape_cast %swap3A_298 : vector<1x16xf32> to vector<16xf32>
        %swap3A_300 = vector.shape_cast %mul3A_295 : vector<16xf32> to vector<1x16xf32>
        tpu.vector_store %arg25[%swap3A_296, %swap3A_297], %swap3A_300 {strides = array<i32>} : memref<832x16xf32, #tpu.memory_space<vmem>>, vector<1x16xf32>,
        %add3A_301 = arith.constant 4 : i32
        %add3A_302 = arith.addi %multiple_of3A, %add3A_301 : i32
        %get3A_303 = arith.index_cast %add3A_302 : i32 to index
        %get3A_304 = arith.constant 0 : index
        %get3A_305 = tpu.vector_load %arg16[%get3A_303, %get3A_304] {strides = array<i32>} : memref<832x16xf32, #tpu.memory_space<vmem>>, vector<1x16xf32>,
        %get3A_306 = vector.shape_cast %get3A_305 : vector<1x16xf32> to vector<16xf32>
        %slice3A_307 = vector.extract_strided_slice %div3A_158 {offsets = [4], sizes = [1], strides = [1]} : vector<16xf32> to vector<1xf32>
        %squeeze3A_308 = vector.extract %slice3A_307[0] : f32 from vector<1xf32>
        %mul3A_309 = vector.broadcast %squeeze3A_308 : f32 to vector<16xf32>
        %mul3A_310 = arith.mulf %get3A_306, %mul3A_309 : vector<16xf32>
        %swap3A_311 = arith.index_cast %add3A_302 : i32 to index
        %swap3A_312 = arith.constant 0 : index
        %swap3A_313 = tpu.vector_load %arg23[%swap3A_311, %swap3A_312] {strides = array<i32>} : memref<832x16xf32, #tpu.memory_space<vmem>>, vector<1x16xf32>,
        %swap3A_314 = vector.shape_cast %swap3A_313 : vector<1x16xf32> to vector<16xf32>
        %swap3A_315 = vector.shape_cast %mul3A_310 : vector<16xf32> to vector<1x16xf32>
        tpu.vector_store %arg23[%swap3A_311, %swap3A_312], %swap3A_315 {strides = array<i32>} : memref<832x16xf32, #tpu.memory_space<vmem>>, vector<1x16xf32>,
        %slice3A_316 = vector.extract_strided_slice %select_n3A {offsets = [4], sizes = [1], strides = [1]} : vector<16xf32> to vector<1xf32>
        %squeeze3A_317 = vector.extract %slice3A_316[0] : f32 from vector<1xf32>
        %mul3A_318 = vector.broadcast %squeeze3A_317 : f32 to vector<16xf32>
        %mul3A_319 = arith.mulf %get3A_306, %mul3A_318 : vector<16xf32>
        %swap3A_320 = arith.index_cast %add3A_302 : i32 to index
        %swap3A_321 = arith.constant 0 : index
        %swap3A_322 = tpu.vector_load %arg24[%swap3A_320, %swap3A_321] {strides = array<i32>} : memref<832x16xf32, #tpu.memory_space<vmem>>, vector<1x16xf32>,
        %swap3A_323 = vector.shape_cast %swap3A_322 : vector<1x16xf32> to vector<16xf32>
        %swap3A_324 = vector.shape_cast %mul3A_319 : vector<16xf32> to vector<1x16xf32>
        tpu.vector_store %arg24[%swap3A_320, %swap3A_321], %swap3A_324 {strides = array<i32>} : memref<832x16xf32, #tpu.memory_space<vmem>>, vector<1x16xf32>,
        %slice3A_325 = vector.extract_strided_slice %select_n3A_171 {offsets = [4], sizes = [1], strides = [1]} : vector<16xf32> to vector<1xf32>
        %squeeze3A_326 = vector.extract %slice3A_325[0] : f32 from vector<1xf32>
        %mul3A_327 = vector.broadcast %squeeze3A_326 : f32 to vector<16xf32>
        %mul3A_328 = arith.mulf %get3A_306, %mul3A_327 : vector<16xf32>
        %swap3A_329 = arith.index_cast %add3A_302 : i32 to index
        %swap3A_330 = arith.constant 0 : index
        %swap3A_331 = tpu.vector_load %arg25[%swap3A_329, %swap3A_330] {strides = array<i32>} : memref<832x16xf32, #tpu.memory_space<vmem>>, vector<1x16xf32>,
        %swap3A_332 = vector.shape_cast %swap3A_331 : vector<1x16xf32> to vector<16xf32>
        %swap3A_333 = vector.shape_cast %mul3A_328 : vector<16xf32> to vector<1x16xf32>
        tpu.vector_store %arg25[%swap3A_329, %swap3A_330], %swap3A_333 {strides = array<i32>} : memref<832x16xf32, #tpu.memory_space<vmem>>, vector<1x16xf32>,
        %add3A_334 = arith.constant 5 : i32
        %add3A_335 = arith.addi %multiple_of3A, %add3A_334 : i32
        %get3A_336 = arith.index_cast %add3A_335 : i32 to index
        %get3A_337 = arith.constant 0 : index
        %get3A_338 = tpu.vector_load %arg16[%get3A_336, %get3A_337] {strides = array<i32>} : memref<832x16xf32, #tpu.memory_space<vmem>>, vector<1x16xf32>,
        %get3A_339 = vector.shape_cast %get3A_338 : vector<1x16xf32> to vector<16xf32>
        %slice3A_340 = vector.extract_strided_slice %div3A_158 {offsets = [5], sizes = [1], strides = [1]} : vector<16xf32> to vector<1xf32>
        %squeeze3A_341 = vector.extract %slice3A_340[0] : f32 from vector<1xf32>
        %mul3A_342 = vector.broadcast %squeeze3A_341 : f32 to vector<16xf32>
        %mul3A_343 = arith.mulf %get3A_339, %mul3A_342 : vector<16xf32>
        %swap3A_344 = arith.index_cast %add3A_335 : i32 to index
        %swap3A_345 = arith.constant 0 : index
        %swap3A_346 = tpu.vector_load %arg23[%swap3A_344, %swap3A_345] {strides = array<i32>} : memref<832x16xf32, #tpu.memory_space<vmem>>, vector<1x16xf32>,
        %swap3A_347 = vector.shape_cast %swap3A_346 : vector<1x16xf32> to vector<16xf32>
        %swap3A_348 = vector.shape_cast %mul3A_343 : vector<16xf32> to vector<1x16xf32>
        tpu.vector_store %arg23[%swap3A_344, %swap3A_345], %swap3A_348 {strides = array<i32>} : memref<832x16xf32, #tpu.memory_space<vmem>>, vector<1x16xf32>,
        %slice3A_349 = vector.extract_strided_slice %select_n3A {offsets = [5], sizes = [1], strides = [1]} : vector<16xf32> to vector<1xf32>
        %squeeze3A_350 = vector.extract %slice3A_349[0] : f32 from vector<1xf32>
        %mul3A_351 = vector.broadcast %squeeze3A_350 : f32 to vector<16xf32>
        %mul3A_352 = arith.mulf %get3A_339, %mul3A_351 : vector<16xf32>
        %swap3A_353 = arith.index_cast %add3A_335 : i32 to index
        %swap3A_354 = arith.constant 0 : index
        %swap3A_355 = tpu.vector_load %arg24[%swap3A_353, %swap3A_354] {strides = array<i32>} : memref<832x16xf32, #tpu.memory_space<vmem>>, vector<1x16xf32>,
        %swap3A_356 = vector.shape_cast %swap3A_355 : vector<1x16xf32> to vector<16xf32>
        %swap3A_357 = vector.shape_cast %mul3A_352 : vector<16xf32> to vector<1x16xf32>
        tpu.vector_store %arg24[%swap3A_353, %swap3A_354], %swap3A_357 {strides = array<i32>} : memref<832x16xf32, #tpu.memory_space<vmem>>, vector<1x16xf32>,
        %slice3A_358 = vector.extract_strided_slice %select_n3A_171 {offsets = [5], sizes = [1], strides = [1]} : vector<16xf32> to vector<1xf32>
        %squeeze3A_359 = vector.extract %slice3A_358[0] : f32 from vector<1xf32>
        %mul3A_360 = vector.broadcast %squeeze3A_359 : f32 to vector<16xf32>
        %mul3A_361 = arith.mulf %get3A_339, %mul3A_360 : vector<16xf32>
        %swap3A_362 = arith.index_cast %add3A_335 : i32 to index
        %swap3A_363 = arith.constant 0 : index
        %swap3A_364 = tpu.vector_load %arg25[%swap3A_362, %swap3A_363] {strides = array<i32>} : memref<832x16xf32, #tpu.memory_space<vmem>>, vector<1x16xf32>,
        %swap3A_365 = vector.shape_cast %swap3A_364 : vector<1x16xf32> to vector<16xf32>
        %swap3A_366 = vector.shape_cast %mul3A_361 : vector<16xf32> to vector<1x16xf32>
        tpu.vector_store %arg25[%swap3A_362, %swap3A_363], %swap3A_366 {strides = array<i32>} : memref<832x16xf32, #tpu.memory_space<vmem>>, vector<1x16xf32>,
        %add3A_367 = arith.constant 6 : i32
        %add3A_368 = arith.addi %multiple_of3A, %add3A_367 : i32
        %get3A_369 = arith.index_cast %add3A_368 : i32 to index
        %get3A_370 = arith.constant 0 : index
        %get3A_371 = tpu.vector_load %arg16[%get3A_369, %get3A_370] {strides = array<i32>} : memref<832x16xf32, #tpu.memory_space<vmem>>, vector<1x16xf32>,
        %get3A_372 = vector.shape_cast %get3A_371 : vector<1x16xf32> to vector<16xf32>
        %slice3A_373 = vector.extract_strided_slice %div3A_158 {offsets = [6], sizes = [1], strides = [1]} : vector<16xf32> to vector<1xf32>
        %squeeze3A_374 = vector.extract %slice3A_373[0] : f32 from vector<1xf32>
        %mul3A_375 = vector.broadcast %squeeze3A_374 : f32 to vector<16xf32>
        %mul3A_376 = arith.mulf %get3A_372, %mul3A_375 : vector<16xf32>
        %swap3A_377 = arith.index_cast %add3A_368 : i32 to index
        %swap3A_378 = arith.constant 0 : index
        %swap3A_379 = tpu.vector_load %arg23[%swap3A_377, %swap3A_378] {strides = array<i32>} : memref<832x16xf32, #tpu.memory_space<vmem>>, vector<1x16xf32>,
        %swap3A_380 = vector.shape_cast %swap3A_379 : vector<1x16xf32> to vector<16xf32>
        %swap3A_381 = vector.shape_cast %mul3A_376 : vector<16xf32> to vector<1x16xf32>
        tpu.vector_store %arg23[%swap3A_377, %swap3A_378], %swap3A_381 {strides = array<i32>} : memref<832x16xf32, #tpu.memory_space<vmem>>, vector<1x16xf32>,
        %slice3A_382 = vector.extract_strided_slice %select_n3A {offsets = [6], sizes = [1], strides = [1]} : vector<16xf32> to vector<1xf32>
        %squeeze3A_383 = vector.extract %slice3A_382[0] : f32 from vector<1xf32>
        %mul3A_384 = vector.broadcast %squeeze3A_383 : f32 to vector<16xf32>
        %mul3A_385 = arith.mulf %get3A_372, %mul3A_384 : vector<16xf32>
        %swap3A_386 = arith.index_cast %add3A_368 : i32 to index
        %swap3A_387 = arith.constant 0 : index
        %swap3A_388 = tpu.vector_load %arg24[%swap3A_386, %swap3A_387] {strides = array<i32>} : memref<832x16xf32, #tpu.memory_space<vmem>>, vector<1x16xf32>,
        %swap3A_389 = vector.shape_cast %swap3A_388 : vector<1x16xf32> to vector<16xf32>
        %swap3A_390 = vector.shape_cast %mul3A_385 : vector<16xf32> to vector<1x16xf32>
        tpu.vector_store %arg24[%swap3A_386, %swap3A_387], %swap3A_390 {strides = array<i32>} : memref<832x16xf32, #tpu.memory_space<vmem>>, vector<1x16xf32>,
        %slice3A_391 = vector.extract_strided_slice %select_n3A_171 {offsets = [6], sizes = [1], strides = [1]} : vector<16xf32> to vector<1xf32>
        %squeeze3A_392 = vector.extract %slice3A_391[0] : f32 from vector<1xf32>
        %mul3A_393 = vector.broadcast %squeeze3A_392 : f32 to vector<16xf32>
        %mul3A_394 = arith.mulf %get3A_372, %mul3A_393 : vector<16xf32>
        %swap3A_395 = arith.index_cast %add3A_368 : i32 to index
        %swap3A_396 = arith.constant 0 : index
        %swap3A_397 = tpu.vector_load %arg25[%swap3A_395, %swap3A_396] {strides = array<i32>} : memref<832x16xf32, #tpu.memory_space<vmem>>, vector<1x16xf32>,
        %swap3A_398 = vector.shape_cast %swap3A_397 : vector<1x16xf32> to vector<16xf32>
        %swap3A_399 = vector.shape_cast %mul3A_394 : vector<16xf32> to vector<1x16xf32>
        tpu.vector_store %arg25[%swap3A_395, %swap3A_396], %swap3A_399 {strides = array<i32>} : memref<832x16xf32, #tpu.memory_space<vmem>>, vector<1x16xf32>,
        %add3A_400 = arith.constant 7 : i32
        %add3A_401 = arith.addi %multiple_of3A, %add3A_400 : i32
        %get3A_402 = arith.index_cast %add3A_401 : i32 to index
        %get3A_403 = arith.constant 0 : index
        %get3A_404 = tpu.vector_load %arg16[%get3A_402, %get3A_403] {strides = array<i32>} : memref<832x16xf32, #tpu.memory_space<vmem>>, vector<1x16xf32>,
        %get3A_405 = vector.shape_cast %get3A_404 : vector<1x16xf32> to vector<16xf32>
        %slice3A_406 = vector.extract_strided_slice %div3A_158 {offsets = [7], sizes = [1], strides = [1]} : vector<16xf32> to vector<1xf32>
        %squeeze3A_407 = vector.extract %slice3A_406[0] : f32 from vector<1xf32>
        %mul3A_408 = vector.broadcast %squeeze3A_407 : f32 to vector<16xf32>
        %mul3A_409 = arith.mulf %get3A_405, %mul3A_408 : vector<16xf32>
        %swap3A_410 = arith.index_cast %add3A_401 : i32 to index
        %swap3A_411 = arith.constant 0 : index
        %swap3A_412 = tpu.vector_load %arg23[%swap3A_410, %swap3A_411] {strides = array<i32>} : memref<832x16xf32, #tpu.memory_space<vmem>>, vector<1x16xf32>,
        %swap3A_413 = vector.shape_cast %swap3A_412 : vector<1x16xf32> to vector<16xf32>
        %swap3A_414 = vector.shape_cast %mul3A_409 : vector<16xf32> to vector<1x16xf32>
        tpu.vector_store %arg23[%swap3A_410, %swap3A_411], %swap3A_414 {strides = array<i32>} : memref<832x16xf32, #tpu.memory_space<vmem>>, vector<1x16xf32>,
        %slice3A_415 = vector.extract_strided_slice %select_n3A {offsets = [7], sizes = [1], strides = [1]} : vector<16xf32> to vector<1xf32>
        %squeeze3A_416 = vector.extract %slice3A_415[0] : f32 from vector<1xf32>
        %mul3A_417 = vector.broadcast %squeeze3A_416 : f32 to vector<16xf32>
        %mul3A_418 = arith.mulf %get3A_405, %mul3A_417 : vector<16xf32>
        %swap3A_419 = arith.index_cast %add3A_401 : i32 to index
        %swap3A_420 = arith.constant 0 : index
        %swap3A_421 = tpu.vector_load %arg24[%swap3A_419, %swap3A_420] {strides = array<i32>} : memref<832x16xf32, #tpu.memory_space<vmem>>, vector<1x16xf32>,
        %swap3A_422 = vector.shape_cast %swap3A_421 : vector<1x16xf32> to vector<16xf32>
        %swap3A_423 = vector.shape_cast %mul3A_418 : vector<16xf32> to vector<1x16xf32>
        tpu.vector_store %arg24[%swap3A_419, %swap3A_420], %swap3A_423 {strides = array<i32>} : memref<832x16xf32, #tpu.memory_space<vmem>>, vector<1x16xf32>,
        %slice3A_424 = vector.extract_strided_slice %select_n3A_171 {offsets = [7], sizes = [1], strides = [1]} : vector<16xf32> to vector<1xf32>
        %squeeze3A_425 = vector.extract %slice3A_424[0] : f32 from vector<1xf32>
        %mul3A_426 = vector.broadcast %squeeze3A_425 : f32 to vector<16xf32>
        %mul3A_427 = arith.mulf %get3A_405, %mul3A_426 : vector<16xf32>
        %swap3A_428 = arith.index_cast %add3A_401 : i32 to index
        %swap3A_429 = arith.constant 0 : index
        %swap3A_430 = tpu.vector_load %arg25[%swap3A_428, %swap3A_429] {strides = array<i32>} : memref<832x16xf32, #tpu.memory_space<vmem>>, vector<1x16xf32>,
        %swap3A_431 = vector.shape_cast %swap3A_430 : vector<1x16xf32> to vector<16xf32>
        %swap3A_432 = vector.shape_cast %mul3A_427 : vector<16xf32> to vector<1x16xf32>
        tpu.vector_store %arg25[%swap3A_428, %swap3A_429], %swap3A_432 {strides = array<i32>} : memref<832x16xf32, #tpu.memory_space<vmem>>, vector<1x16xf32>,
        %add3A_433 = arith.constant 8 : i32
        %add3A_434 = arith.addi %multiple_of3A, %add3A_433 : i32
        %get3A_435 = arith.index_cast %add3A_434 : i32 to index
        %get3A_436 = arith.constant 0 : index
        %get3A_437 = tpu.vector_load %arg16[%get3A_435, %get3A_436] {strides = array<i32>} : memref<832x16xf32, #tpu.memory_space<vmem>>, vector<1x16xf32>,
        %get3A_438 = vector.shape_cast %get3A_437 : vector<1x16xf32> to vector<16xf32>
        %slice3A_439 = vector.extract_strided_slice %div3A_158 {offsets = [8], sizes = [1], strides = [1]} : vector<16xf32> to vector<1xf32>
        %squeeze3A_440 = vector.extract %slice3A_439[0] : f32 from vector<1xf32>
        %mul3A_441 = vector.broadcast %squeeze3A_440 : f32 to vector<16xf32>
        %mul3A_442 = arith.mulf %get3A_438, %mul3A_441 : vector<16xf32>
        %swap3A_443 = arith.index_cast %add3A_434 : i32 to index
        %swap3A_444 = arith.constant 0 : index
        %swap3A_445 = tpu.vector_load %arg23[%swap3A_443, %swap3A_444] {strides = array<i32>} : memref<832x16xf32, #tpu.memory_space<vmem>>, vector<1x16xf32>,
        %swap3A_446 = vector.shape_cast %swap3A_445 : vector<1x16xf32> to vector<16xf32>
        %swap3A_447 = vector.shape_cast %mul3A_442 : vector<16xf32> to vector<1x16xf32>
        tpu.vector_store %arg23[%swap3A_443, %swap3A_444], %swap3A_447 {strides = array<i32>} : memref<832x16xf32, #tpu.memory_space<vmem>>, vector<1x16xf32>,
        %slice3A_448 = vector.extract_strided_slice %select_n3A {offsets = [8], sizes = [1], strides = [1]} : vector<16xf32> to vector<1xf32>
        %squeeze3A_449 = vector.extract %slice3A_448[0] : f32 from vector<1xf32>
        %mul3A_450 = vector.broadcast %squeeze3A_449 : f32 to vector<16xf32>
        %mul3A_451 = arith.mulf %get3A_438, %mul3A_450 : vector<16xf32>
        %swap3A_452 = arith.index_cast %add3A_434 : i32 to index
        %swap3A_453 = arith.constant 0 : index
        %swap3A_454 = tpu.vector_load %arg24[%swap3A_452, %swap3A_453] {strides = array<i32>} : memref<832x16xf32, #tpu.memory_space<vmem>>, vector<1x16xf32>,
        %swap3A_455 = vector.shape_cast %swap3A_454 : vector<1x16xf32> to vector<16xf32>
        %swap3A_456 = vector.shape_cast %mul3A_451 : vector<16xf32> to vector<1x16xf32>
        tpu.vector_store %arg24[%swap3A_452, %swap3A_453], %swap3A_456 {strides = array<i32>} : memref<832x16xf32, #tpu.memory_space<vmem>>, vector<1x16xf32>,
        %slice3A_457 = vector.extract_strided_slice %select_n3A_171 {offsets = [8], sizes = [1], strides = [1]} : vector<16xf32> to vector<1xf32>
        %squeeze3A_458 = vector.extract %slice3A_457[0] : f32 from vector<1xf32>
        %mul3A_459 = vector.broadcast %squeeze3A_458 : f32 to vector<16xf32>
        %mul3A_460 = arith.mulf %get3A_438, %mul3A_459 : vector<16xf32>
        %swap3A_461 = arith.index_cast %add3A_434 : i32 to index
        %swap3A_462 = arith.constant 0 : index
        %swap3A_463 = tpu.vector_load %arg25[%swap3A_461, %swap3A_462] {strides = array<i32>} : memref<832x16xf32, #tpu.memory_space<vmem>>, vector<1x16xf32>,
        %swap3A_464 = vector.shape_cast %swap3A_463 : vector<1x16xf32> to vector<16xf32>
        %swap3A_465 = vector.shape_cast %mul3A_460 : vector<16xf32> to vector<1x16xf32>
        tpu.vector_store %arg25[%swap3A_461, %swap3A_462], %swap3A_465 {strides = array<i32>} : memref<832x16xf32, #tpu.memory_space<vmem>>, vector<1x16xf32>,
        %add3A_466 = arith.constant 9 : i32
        %add3A_467 = arith.addi %multiple_of3A, %add3A_466 : i32
        %get3A_468 = arith.index_cast %add3A_467 : i32 to index
        %get3A_469 = arith.constant 0 : index
        %get3A_470 = tpu.vector_load %arg16[%get3A_468, %get3A_469] {strides = array<i32>} : memref<832x16xf32, #tpu.memory_space<vmem>>, vector<1x16xf32>,
        %get3A_471 = vector.shape_cast %get3A_470 : vector<1x16xf32> to vector<16xf32>
        %slice3A_472 = vector.extract_strided_slice %div3A_158 {offsets = [9], sizes = [1], strides = [1]} : vector<16xf32> to vector<1xf32>
        %squeeze3A_473 = vector.extract %slice3A_472[0] : f32 from vector<1xf32>
        %mul3A_474 = vector.broadcast %squeeze3A_473 : f32 to vector<16xf32>
        %mul3A_475 = arith.mulf %get3A_471, %mul3A_474 : vector<16xf32>
        %swap3A_476 = arith.index_cast %add3A_467 : i32 to index
        %swap3A_477 = arith.constant 0 : index
        %swap3A_478 = tpu.vector_load %arg23[%swap3A_476, %swap3A_477] {strides = array<i32>} : memref<832x16xf32, #tpu.memory_space<vmem>>, vector<1x16xf32>,
        %swap3A_479 = vector.shape_cast %swap3A_478 : vector<1x16xf32> to vector<16xf32>
        %swap3A_480 = vector.shape_cast %mul3A_475 : vector<16xf32> to vector<1x16xf32>
        tpu.vector_store %arg23[%swap3A_476, %swap3A_477], %swap3A_480 {strides = array<i32>} : memref<832x16xf32, #tpu.memory_space<vmem>>, vector<1x16xf32>,
        %slice3A_481 = vector.extract_strided_slice %select_n3A {offsets = [9], sizes = [1], strides = [1]} : vector<16xf32> to vector<1xf32>
        %squeeze3A_482 = vector.extract %slice3A_481[0] : f32 from vector<1xf32>
        %mul3A_483 = vector.broadcast %squeeze3A_482 : f32 to vector<16xf32>
        %mul3A_484 = arith.mulf %get3A_471, %mul3A_483 : vector<16xf32>
        %swap3A_485 = arith.index_cast %add3A_467 : i32 to index
        %swap3A_486 = arith.constant 0 : index
        %swap3A_487 = tpu.vector_load %arg24[%swap3A_485, %swap3A_486] {strides = array<i32>} : memref<832x16xf32, #tpu.memory_space<vmem>>, vector<1x16xf32>,
        %swap3A_488 = vector.shape_cast %swap3A_487 : vector<1x16xf32> to vector<16xf32>
        %swap3A_489 = vector.shape_cast %mul3A_484 : vector<16xf32> to vector<1x16xf32>
        tpu.vector_store %arg24[%swap3A_485, %swap3A_486], %swap3A_489 {strides = array<i32>} : memref<832x16xf32, #tpu.memory_space<vmem>>, vector<1x16xf32>,
        %slice3A_490 = vector.extract_strided_slice %select_n3A_171 {offsets = [9], sizes = [1], strides = [1]} : vector<16xf32> to vector<1xf32>
        %squeeze3A_491 = vector.extract %slice3A_490[0] : f32 from vector<1xf32>
        %mul3A_492 = vector.broadcast %squeeze3A_491 : f32 to vector<16xf32>
        %mul3A_493 = arith.mulf %get3A_471, %mul3A_492 : vector<16xf32>
        %swap3A_494 = arith.index_cast %add3A_467 : i32 to index
        %swap3A_495 = arith.constant 0 : index
        %swap3A_496 = tpu.vector_load %arg25[%swap3A_494, %swap3A_495] {strides = array<i32>} : memref<832x16xf32, #tpu.memory_space<vmem>>, vector<1x16xf32>,
        %swap3A_497 = vector.shape_cast %swap3A_496 : vector<1x16xf32> to vector<16xf32>
        %swap3A_498 = vector.shape_cast %mul3A_493 : vector<16xf32> to vector<1x16xf32>
        tpu.vector_store %arg25[%swap3A_494, %swap3A_495], %swap3A_498 {strides = array<i32>} : memref<832x16xf32, #tpu.memory_space<vmem>>, vector<1x16xf32>,
        %add3A_499 = arith.constant 10 : i32
        %add3A_500 = arith.addi %multiple_of3A, %add3A_499 : i32
        %get3A_501 = arith.index_cast %add3A_500 : i32 to index
        %get3A_502 = arith.constant 0 : index
        %get3A_503 = tpu.vector_load %arg16[%get3A_501, %get3A_502] {strides = array<i32>} : memref<832x16xf32, #tpu.memory_space<vmem>>, vector<1x16xf32>,
        %get3A_504 = vector.shape_cast %get3A_503 : vector<1x16xf32> to vector<16xf32>
        %slice3A_505 = vector.extract_strided_slice %div3A_158 {offsets = [10], sizes = [1], strides = [1]} : vector<16xf32> to vector<1xf32>
        %squeeze3A_506 = vector.extract %slice3A_505[0] : f32 from vector<1xf32>
        %mul3A_507 = vector.broadcast %squeeze3A_506 : f32 to vector<16xf32>
        %mul3A_508 = arith.mulf %get3A_504, %mul3A_507 : vector<16xf32>
        %swap3A_509 = arith.index_cast %add3A_500 : i32 to index
        %swap3A_510 = arith.constant 0 : index
        %swap3A_511 = tpu.vector_load %arg23[%swap3A_509, %swap3A_510] {strides = array<i32>} : memref<832x16xf32, #tpu.memory_space<vmem>>, vector<1x16xf32>,
        %swap3A_512 = vector.shape_cast %swap3A_511 : vector<1x16xf32> to vector<16xf32>
        %swap3A_513 = vector.shape_cast %mul3A_508 : vector<16xf32> to vector<1x16xf32>
        tpu.vector_store %arg23[%swap3A_509, %swap3A_510], %swap3A_513 {strides = array<i32>} : memref<832x16xf32, #tpu.memory_space<vmem>>, vector<1x16xf32>,
        %slice3A_514 = vector.extract_strided_slice %select_n3A {offsets = [10], sizes = [1], strides = [1]} : vector<16xf32> to vector<1xf32>
        %squeeze3A_515 = vector.extract %slice3A_514[0] : f32 from vector<1xf32>
        %mul3A_516 = vector.broadcast %squeeze3A_515 : f32 to vector<16xf32>
        %mul3A_517 = arith.mulf %get3A_504, %mul3A_516 : vector<16xf32>
        %swap3A_518 = arith.index_cast %add3A_500 : i32 to index
        %swap3A_519 = arith.constant 0 : index
        %swap3A_520 = tpu.vector_load %arg24[%swap3A_518, %swap3A_519] {strides = array<i32>} : memref<832x16xf32, #tpu.memory_space<vmem>>, vector<1x16xf32>,
        %swap3A_521 = vector.shape_cast %swap3A_520 : vector<1x16xf32> to vector<16xf32>
        %swap3A_522 = vector.shape_cast %mul3A_517 : vector<16xf32> to vector<1x16xf32>
        tpu.vector_store %arg24[%swap3A_518, %swap3A_519], %swap3A_522 {strides = array<i32>} : memref<832x16xf32, #tpu.memory_space<vmem>>, vector<1x16xf32>,
        %slice3A_523 = vector.extract_strided_slice %select_n3A_171 {offsets = [10], sizes = [1], strides = [1]} : vector<16xf32> to vector<1xf32>
        %squeeze3A_524 = vector.extract %slice3A_523[0] : f32 from vector<1xf32>
        %mul3A_525 = vector.broadcast %squeeze3A_524 : f32 to vector<16xf32>
        %mul3A_526 = arith.mulf %get3A_504, %mul3A_525 : vector<16xf32>
        %swap3A_527 = arith.index_cast %add3A_500 : i32 to index
        %swap3A_528 = arith.constant 0 : index
        %swap3A_529 = tpu.vector_load %arg25[%swap3A_527, %swap3A_528] {strides = array<i32>} : memref<832x16xf32, #tpu.memory_space<vmem>>, vector<1x16xf32>,
        %swap3A_530 = vector.shape_cast %swap3A_529 : vector<1x16xf32> to vector<16xf32>
        %swap3A_531 = vector.shape_cast %mul3A_526 : vector<16xf32> to vector<1x16xf32>
        tpu.vector_store %arg25[%swap3A_527, %swap3A_528], %swap3A_531 {strides = array<i32>} : memref<832x16xf32, #tpu.memory_space<vmem>>, vector<1x16xf32>,
        %add3A_532 = arith.constant 11 : i32
        %add3A_533 = arith.addi %multiple_of3A, %add3A_532 : i32
        %get3A_534 = arith.index_cast %add3A_533 : i32 to index
        %get3A_535 = arith.constant 0 : index
        %get3A_536 = tpu.vector_load %arg16[%get3A_534, %get3A_535] {strides = array<i32>} : memref<832x16xf32, #tpu.memory_space<vmem>>, vector<1x16xf32>,
        %get3A_537 = vector.shape_cast %get3A_536 : vector<1x16xf32> to vector<16xf32>
        %slice3A_538 = vector.extract_strided_slice %div3A_158 {offsets = [11], sizes = [1], strides = [1]} : vector<16xf32> to vector<1xf32>
        %squeeze3A_539 = vector.extract %slice3A_538[0] : f32 from vector<1xf32>
        %mul3A_540 = vector.broadcast %squeeze3A_539 : f32 to vector<16xf32>
        %mul3A_541 = arith.mulf %get3A_537, %mul3A_540 : vector<16xf32>
        %swap3A_542 = arith.index_cast %add3A_533 : i32 to index
        %swap3A_543 = arith.constant 0 : index
        %swap3A_544 = tpu.vector_load %arg23[%swap3A_542, %swap3A_543] {strides = array<i32>} : memref<832x16xf32, #tpu.memory_space<vmem>>, vector<1x16xf32>,
        %swap3A_545 = vector.shape_cast %swap3A_544 : vector<1x16xf32> to vector<16xf32>
        %swap3A_546 = vector.shape_cast %mul3A_541 : vector<16xf32> to vector<1x16xf32>
        tpu.vector_store %arg23[%swap3A_542, %swap3A_543], %swap3A_546 {strides = array<i32>} : memref<832x16xf32, #tpu.memory_space<vmem>>, vector<1x16xf32>,
        %slice3A_547 = vector.extract_strided_slice %select_n3A {offsets = [11], sizes = [1], strides = [1]} : vector<16xf32> to vector<1xf32>
        %squeeze3A_548 = vector.extract %slice3A_547[0] : f32 from vector<1xf32>
        %mul3A_549 = vector.broadcast %squeeze3A_548 : f32 to vector<16xf32>
        %mul3A_550 = arith.mulf %get3A_537, %mul3A_549 : vector<16xf32>
        %swap3A_551 = arith.index_cast %add3A_533 : i32 to index
        %swap3A_552 = arith.constant 0 : index
        %swap3A_553 = tpu.vector_load %arg24[%swap3A_551, %swap3A_552] {strides = array<i32>} : memref<832x16xf32, #tpu.memory_space<vmem>>, vector<1x16xf32>,
        %swap3A_554 = vector.shape_cast %swap3A_553 : vector<1x16xf32> to vector<16xf32>
        %swap3A_555 = vector.shape_cast %mul3A_550 : vector<16xf32> to vector<1x16xf32>
        tpu.vector_store %arg24[%swap3A_551, %swap3A_552], %swap3A_555 {strides = array<i32>} : memref<832x16xf32, #tpu.memory_space<vmem>>, vector<1x16xf32>,
        %slice3A_556 = vector.extract_strided_slice %select_n3A_171 {offsets = [11], sizes = [1], strides = [1]} : vector<16xf32> to vector<1xf32>
        %squeeze3A_557 = vector.extract %slice3A_556[0] : f32 from vector<1xf32>
        %mul3A_558 = vector.broadcast %squeeze3A_557 : f32 to vector<16xf32>
        %mul3A_559 = arith.mulf %get3A_537, %mul3A_558 : vector<16xf32>
        %swap3A_560 = arith.index_cast %add3A_533 : i32 to index
        %swap3A_561 = arith.constant 0 : index
        %swap3A_562 = tpu.vector_load %arg25[%swap3A_560, %swap3A_561] {strides = array<i32>} : memref<832x16xf32, #tpu.memory_space<vmem>>, vector<1x16xf32>,
        %swap3A_563 = vector.shape_cast %swap3A_562 : vector<1x16xf32> to vector<16xf32>
        %swap3A_564 = vector.shape_cast %mul3A_559 : vector<16xf32> to vector<1x16xf32>
        tpu.vector_store %arg25[%swap3A_560, %swap3A_561], %swap3A_564 {strides = array<i32>} : memref<832x16xf32, #tpu.memory_space<vmem>>, vector<1x16xf32>,
        %add3A_565 = arith.constant 12 : i32
        %add3A_566 = arith.addi %multiple_of3A, %add3A_565 : i32
        %get3A_567 = arith.index_cast %add3A_566 : i32 to index
        %get3A_568 = arith.constant 0 : index
        %get3A_569 = tpu.vector_load %arg16[%get3A_567, %get3A_568] {strides = array<i32>} : memref<832x16xf32, #tpu.memory_space<vmem>>, vector<1x16xf32>,
        %get3A_570 = vector.shape_cast %get3A_569 : vector<1x16xf32> to vector<16xf32>
        %slice3A_571 = vector.extract_strided_slice %div3A_158 {offsets = [12], sizes = [1], strides = [1]} : vector<16xf32> to vector<1xf32>
        %squeeze3A_572 = vector.extract %slice3A_571[0] : f32 from vector<1xf32>
        %mul3A_573 = vector.broadcast %squeeze3A_572 : f32 to vector<16xf32>
        %mul3A_574 = arith.mulf %get3A_570, %mul3A_573 : vector<16xf32>
        %swap3A_575 = arith.index_cast %add3A_566 : i32 to index
        %swap3A_576 = arith.constant 0 : index
        %swap3A_577 = tpu.vector_load %arg23[%swap3A_575, %swap3A_576] {strides = array<i32>} : memref<832x16xf32, #tpu.memory_space<vmem>>, vector<1x16xf32>,
        %swap3A_578 = vector.shape_cast %swap3A_577 : vector<1x16xf32> to vector<16xf32>
        %swap3A_579 = vector.shape_cast %mul3A_574 : vector<16xf32> to vector<1x16xf32>
        tpu.vector_store %arg23[%swap3A_575, %swap3A_576], %swap3A_579 {strides = array<i32>} : memref<832x16xf32, #tpu.memory_space<vmem>>, vector<1x16xf32>,
        %slice3A_580 = vector.extract_strided_slice %select_n3A {offsets = [12], sizes = [1], strides = [1]} : vector<16xf32> to vector<1xf32>
        %squeeze3A_581 = vector.extract %slice3A_580[0] : f32 from vector<1xf32>
        %mul3A_582 = vector.broadcast %squeeze3A_581 : f32 to vector<16xf32>
        %mul3A_583 = arith.mulf %get3A_570, %mul3A_582 : vector<16xf32>
        %swap3A_584 = arith.index_cast %add3A_566 : i32 to index
        %swap3A_585 = arith.constant 0 : index
        %swap3A_586 = tpu.vector_load %arg24[%swap3A_584, %swap3A_585] {strides = array<i32>} : memref<832x16xf32, #tpu.memory_space<vmem>>, vector<1x16xf32>,
        %swap3A_587 = vector.shape_cast %swap3A_586 : vector<1x16xf32> to vector<16xf32>
        %swap3A_588 = vector.shape_cast %mul3A_583 : vector<16xf32> to vector<1x16xf32>
        tpu.vector_store %arg24[%swap3A_584, %swap3A_585], %swap3A_588 {strides = array<i32>} : memref<832x16xf32, #tpu.memory_space<vmem>>, vector<1x16xf32>,
        %slice3A_589 = vector.extract_strided_slice %select_n3A_171 {offsets = [12], sizes = [1], strides = [1]} : vector<16xf32> to vector<1xf32>
        %squeeze3A_590 = vector.extract %slice3A_589[0] : f32 from vector<1xf32>
        %mul3A_591 = vector.broadcast %squeeze3A_590 : f32 to vector<16xf32>
        %mul3A_592 = arith.mulf %get3A_570, %mul3A_591 : vector<16xf32>
        %swap3A_593 = arith.index_cast %add3A_566 : i32 to index
        %swap3A_594 = arith.constant 0 : index
        %swap3A_595 = tpu.vector_load %arg25[%swap3A_593, %swap3A_594] {strides = array<i32>} : memref<832x16xf32, #tpu.memory_space<vmem>>, vector<1x16xf32>,
        %swap3A_596 = vector.shape_cast %swap3A_595 : vector<1x16xf32> to vector<16xf32>
        %swap3A_597 = vector.shape_cast %mul3A_592 : vector<16xf32> to vector<1x16xf32>
        tpu.vector_store %arg25[%swap3A_593, %swap3A_594], %swap3A_597 {strides = array<i32>} : memref<832x16xf32, #tpu.memory_space<vmem>>, vector<1x16xf32>,
        %add3A_598 = arith.constant 13 : i32
        %add3A_599 = arith.addi %multiple_of3A, %add3A_598 : i32
        %get3A_600 = arith.index_cast %add3A_599 : i32 to index
        %get3A_601 = arith.constant 0 : index
        %get3A_602 = tpu.vector_load %arg16[%get3A_600, %get3A_601] {strides = array<i32>} : memref<832x16xf32, #tpu.memory_space<vmem>>, vector<1x16xf32>,
        %get3A_603 = vector.shape_cast %get3A_602 : vector<1x16xf32> to vector<16xf32>
        %slice3A_604 = vector.extract_strided_slice %div3A_158 {offsets = [13], sizes = [1], strides = [1]} : vector<16xf32> to vector<1xf32>
        %squeeze3A_605 = vector.extract %slice3A_604[0] : f32 from vector<1xf32>
        %mul3A_606 = vector.broadcast %squeeze3A_605 : f32 to vector<16xf32>
        %mul3A_607 = arith.mulf %get3A_603, %mul3A_606 : vector<16xf32>
        %swap3A_608 = arith.index_cast %add3A_599 : i32 to index
        %swap3A_609 = arith.constant 0 : index
        %swap3A_610 = tpu.vector_load %arg23[%swap3A_608, %swap3A_609] {strides = array<i32>} : memref<832x16xf32, #tpu.memory_space<vmem>>, vector<1x16xf32>,
        %swap3A_611 = vector.shape_cast %swap3A_610 : vector<1x16xf32> to vector<16xf32>
        %swap3A_612 = vector.shape_cast %mul3A_607 : vector<16xf32> to vector<1x16xf32>
        tpu.vector_store %arg23[%swap3A_608, %swap3A_609], %swap3A_612 {strides = array<i32>} : memref<832x16xf32, #tpu.memory_space<vmem>>, vector<1x16xf32>,
        %slice3A_613 = vector.extract_strided_slice %select_n3A {offsets = [13], sizes = [1], strides = [1]} : vector<16xf32> to vector<1xf32>
        %squeeze3A_614 = vector.extract %slice3A_613[0] : f32 from vector<1xf32>
        %mul3A_615 = vector.broadcast %squeeze3A_614 : f32 to vector<16xf32>
        %mul3A_616 = arith.mulf %get3A_603, %mul3A_615 : vector<16xf32>
        %swap3A_617 = arith.index_cast %add3A_599 : i32 to index
        %swap3A_618 = arith.constant 0 : index
        %swap3A_619 = tpu.vector_load %arg24[%swap3A_617, %swap3A_618] {strides = array<i32>} : memref<832x16xf32, #tpu.memory_space<vmem>>, vector<1x16xf32>,
        %swap3A_620 = vector.shape_cast %swap3A_619 : vector<1x16xf32> to vector<16xf32>
        %swap3A_621 = vector.shape_cast %mul3A_616 : vector<16xf32> to vector<1x16xf32>
        tpu.vector_store %arg24[%swap3A_617, %swap3A_618], %swap3A_621 {strides = array<i32>} : memref<832x16xf32, #tpu.memory_space<vmem>>, vector<1x16xf32>,
        %slice3A_622 = vector.extract_strided_slice %select_n3A_171 {offsets = [13], sizes = [1], strides = [1]} : vector<16xf32> to vector<1xf32>
        %squeeze3A_623 = vector.extract %slice3A_622[0] : f32 from vector<1xf32>
        %mul3A_624 = vector.broadcast %squeeze3A_623 : f32 to vector<16xf32>
        %mul3A_625 = arith.mulf %get3A_603, %mul3A_624 : vector<16xf32>
        %swap3A_626 = arith.index_cast %add3A_599 : i32 to index
        %swap3A_627 = arith.constant 0 : index
        %swap3A_628 = tpu.vector_load %arg25[%swap3A_626, %swap3A_627] {strides = array<i32>} : memref<832x16xf32, #tpu.memory_space<vmem>>, vector<1x16xf32>,
        %swap3A_629 = vector.shape_cast %swap3A_628 : vector<1x16xf32> to vector<16xf32>
        %swap3A_630 = vector.shape_cast %mul3A_625 : vector<16xf32> to vector<1x16xf32>
        tpu.vector_store %arg25[%swap3A_626, %swap3A_627], %swap3A_630 {strides = array<i32>} : memref<832x16xf32, #tpu.memory_space<vmem>>, vector<1x16xf32>,
        %add3A_631 = arith.constant 14 : i32
        %add3A_632 = arith.addi %multiple_of3A, %add3A_631 : i32
        %get3A_633 = arith.index_cast %add3A_632 : i32 to index
        %get3A_634 = arith.constant 0 : index
        %get3A_635 = tpu.vector_load %arg16[%get3A_633, %get3A_634] {strides = array<i32>} : memref<832x16xf32, #tpu.memory_space<vmem>>, vector<1x16xf32>,
        %get3A_636 = vector.shape_cast %get3A_635 : vector<1x16xf32> to vector<16xf32>
        %slice3A_637 = vector.extract_strided_slice %div3A_158 {offsets = [14], sizes = [1], strides = [1]} : vector<16xf32> to vector<1xf32>
        %squeeze3A_638 = vector.extract %slice3A_637[0] : f32 from vector<1xf32>
        %mul3A_639 = vector.broadcast %squeeze3A_638 : f32 to vector<16xf32>
        %mul3A_640 = arith.mulf %get3A_636, %mul3A_639 : vector<16xf32>
        %swap3A_641 = arith.index_cast %add3A_632 : i32 to index
        %swap3A_642 = arith.constant 0 : index
        %swap3A_643 = tpu.vector_load %arg23[%swap3A_641, %swap3A_642] {strides = array<i32>} : memref<832x16xf32, #tpu.memory_space<vmem>>, vector<1x16xf32>,
        %swap3A_644 = vector.shape_cast %swap3A_643 : vector<1x16xf32> to vector<16xf32>
        %swap3A_645 = vector.shape_cast %mul3A_640 : vector<16xf32> to vector<1x16xf32>
        tpu.vector_store %arg23[%swap3A_641, %swap3A_642], %swap3A_645 {strides = array<i32>} : memref<832x16xf32, #tpu.memory_space<vmem>>, vector<1x16xf32>,
        %slice3A_646 = vector.extract_strided_slice %select_n3A {offsets = [14], sizes = [1], strides = [1]} : vector<16xf32> to vector<1xf32>
        %squeeze3A_647 = vector.extract %slice3A_646[0] : f32 from vector<1xf32>
        %mul3A_648 = vector.broadcast %squeeze3A_647 : f32 to vector<16xf32>
        %mul3A_649 = arith.mulf %get3A_636, %mul3A_648 : vector<16xf32>
        %swap3A_650 = arith.index_cast %add3A_632 : i32 to index
        %swap3A_651 = arith.constant 0 : index
        %swap3A_652 = tpu.vector_load %arg24[%swap3A_650, %swap3A_651] {strides = array<i32>} : memref<832x16xf32, #tpu.memory_space<vmem>>, vector<1x16xf32>,
        %swap3A_653 = vector.shape_cast %swap3A_652 : vector<1x16xf32> to vector<16xf32>
        %swap3A_654 = vector.shape_cast %mul3A_649 : vector<16xf32> to vector<1x16xf32>
        tpu.vector_store %arg24[%swap3A_650, %swap3A_651], %swap3A_654 {strides = array<i32>} : memref<832x16xf32, #tpu.memory_space<vmem>>, vector<1x16xf32>,
        %slice3A_655 = vector.extract_strided_slice %select_n3A_171 {offsets = [14], sizes = [1], strides = [1]} : vector<16xf32> to vector<1xf32>
        %squeeze3A_656 = vector.extract %slice3A_655[0] : f32 from vector<1xf32>
        %mul3A_657 = vector.broadcast %squeeze3A_656 : f32 to vector<16xf32>
        %mul3A_658 = arith.mulf %get3A_636, %mul3A_657 : vector<16xf32>
        %swap3A_659 = arith.index_cast %add3A_632 : i32 to index
        %swap3A_660 = arith.constant 0 : index
        %swap3A_661 = tpu.vector_load %arg25[%swap3A_659, %swap3A_660] {strides = array<i32>} : memref<832x16xf32, #tpu.memory_space<vmem>>, vector<1x16xf32>,
        %swap3A_662 = vector.shape_cast %swap3A_661 : vector<1x16xf32> to vector<16xf32>
        %swap3A_663 = vector.shape_cast %mul3A_658 : vector<16xf32> to vector<1x16xf32>
        tpu.vector_store %arg25[%swap3A_659, %swap3A_660], %swap3A_663 {strides = array<i32>} : memref<832x16xf32, #tpu.memory_space<vmem>>, vector<1x16xf32>,
        %add3A_664 = arith.constant 15 : i32
        %add3A_665 = arith.addi %multiple_of3A, %add3A_664 : i32
        %get3A_666 = arith.index_cast %add3A_665 : i32 to index
        %get3A_667 = arith.constant 0 : index
        %get3A_668 = tpu.vector_load %arg16[%get3A_666, %get3A_667] {strides = array<i32>} : memref<832x16xf32, #tpu.memory_space<vmem>>, vector<1x16xf32>,
        %get3A_669 = vector.shape_cast %get3A_668 : vector<1x16xf32> to vector<16xf32>
        %slice3A_670 = vector.extract_strided_slice %div3A_158 {offsets = [15], sizes = [1], strides = [1]} : vector<16xf32> to vector<1xf32>
        %squeeze3A_671 = vector.extract %slice3A_670[0] : f32 from vector<1xf32>
        %mul3A_672 = vector.broadcast %squeeze3A_671 : f32 to vector<16xf32>
        %mul3A_673 = arith.mulf %get3A_669, %mul3A_672 : vector<16xf32>
        %swap3A_674 = arith.index_cast %add3A_665 : i32 to index
        %swap3A_675 = arith.constant 0 : index
        %swap3A_676 = tpu.vector_load %arg23[%swap3A_674, %swap3A_675] {strides = array<i32>} : memref<832x16xf32, #tpu.memory_space<vmem>>, vector<1x16xf32>,
        %swap3A_677 = vector.shape_cast %swap3A_676 : vector<1x16xf32> to vector<16xf32>
        %swap3A_678 = vector.shape_cast %mul3A_673 : vector<16xf32> to vector<1x16xf32>
        tpu.vector_store %arg23[%swap3A_674, %swap3A_675], %swap3A_678 {strides = array<i32>} : memref<832x16xf32, #tpu.memory_space<vmem>>, vector<1x16xf32>,
        %slice3A_679 = vector.extract_strided_slice %select_n3A {offsets = [15], sizes = [1], strides = [1]} : vector<16xf32> to vector<1xf32>
        %squeeze3A_680 = vector.extract %slice3A_679[0] : f32 from vector<1xf32>
        %mul3A_681 = vector.broadcast %squeeze3A_680 : f32 to vector<16xf32>
        %mul3A_682 = arith.mulf %get3A_669, %mul3A_681 : vector<16xf32>
        %swap3A_683 = arith.index_cast %add3A_665 : i32 to index
        %swap3A_684 = arith.constant 0 : index
        %swap3A_685 = tpu.vector_load %arg24[%swap3A_683, %swap3A_684] {strides = array<i32>} : memref<832x16xf32, #tpu.memory_space<vmem>>, vector<1x16xf32>,
        %swap3A_686 = vector.shape_cast %swap3A_685 : vector<1x16xf32> to vector<16xf32>
        %swap3A_687 = vector.shape_cast %mul3A_682 : vector<16xf32> to vector<1x16xf32>
        tpu.vector_store %arg24[%swap3A_683, %swap3A_684], %swap3A_687 {strides = array<i32>} : memref<832x16xf32, #tpu.memory_space<vmem>>, vector<1x16xf32>,
        %slice3A_688 = vector.extract_strided_slice %select_n3A_171 {offsets = [15], sizes = [1], strides = [1]} : vector<16xf32> to vector<1xf32>
        %squeeze3A_689 = vector.extract %slice3A_688[0] : f32 from vector<1xf32>
        %mul3A_690 = vector.broadcast %squeeze3A_689 : f32 to vector<16xf32>
        %mul3A_691 = arith.mulf %get3A_669, %mul3A_690 : vector<16xf32>
        %swap3A_692 = arith.index_cast %add3A_665 : i32 to index
        %swap3A_693 = arith.constant 0 : index
        %swap3A_694 = tpu.vector_load %arg25[%swap3A_692, %swap3A_693] {strides = array<i32>} : memref<832x16xf32, #tpu.memory_space<vmem>>, vector<1x16xf32>,
        %swap3A_695 = vector.shape_cast %swap3A_694 : vector<1x16xf32> to vector<16xf32>
        %swap3A_696 = vector.shape_cast %mul3A_691 : vector<16xf32> to vector<1x16xf32>
        tpu.vector_store %arg25[%swap3A_692, %swap3A_693], %swap3A_696 {strides = array<i32>} : memref<832x16xf32, #tpu.memory_space<vmem>>, vector<1x16xf32>,
      }
      %scan3A_115 = arith.constant 52 : i32
      %mul3A_116 = arith.constant 832 : i32
      %mul3A_117 = arith.muli %add3A_45, %mul3A_116 : i32
      %add3A_118 = arith.addi %mul3A_2, %mul3A_117 : i32
      %dma_start3A_119 = arith.constant 0 : i32
      %dma_start3A_120 = tpu.memref_slice %arg7[%add3A_118, %dma_start3A_119] : memref<425984x16xf32, #tpu.memory_space<hbm>> -> memref<832x16xf32, #tpu.memory_space<hbm>>
      %dma_start3A_121 = arith.constant 0 : i32
      %dma_start3A_122 = tpu.memref_slice %arg7[%add3A_118, %dma_start3A_121] : memref<425984x16xf32, #tpu.memory_space<hbm>> -> memref<832x16xf32, #tpu.memory_space<hbm>>
      tpu.enqueue_dma source(%arg23 : memref<832x16xf32, #tpu.memory_space<vmem>>) target(%dma_start3A_122 : memref<832x16xf32, #tpu.memory_space<hbm>>) target_semaphore(%arg29 : memref<!tpu.dma_semaphore, #tpu.memory_space<semaphore_mem>>)
      %dma_start3A_123 = arith.constant 0 : i32
      %dma_start3A_124 = tpu.memref_slice %arg8[%add3A_118, %dma_start3A_123] : memref<425984x16xf32, #tpu.memory_space<hbm>> -> memref<832x16xf32, #tpu.memory_space<hbm>>
      %dma_start3A_125 = arith.constant 0 : i32
      %dma_start3A_126 = tpu.memref_slice %arg8[%add3A_118, %dma_start3A_125] : memref<425984x16xf32, #tpu.memory_space<hbm>> -> memref<832x16xf32, #tpu.memory_space<hbm>>
      tpu.enqueue_dma source(%arg24 : memref<832x16xf32, #tpu.memory_space<vmem>>) target(%dma_start3A_126 : memref<832x16xf32, #tpu.memory_space<hbm>>) target_semaphore(%arg29 : memref<!tpu.dma_semaphore, #tpu.memory_space<semaphore_mem>>)
      %dma_start3A_127 = arith.constant 0 : i32
      %dma_start3A_128 = tpu.memref_slice %arg9[%add3A_118, %dma_start3A_127] : memref<425984x16xf32, #tpu.memory_space<hbm>> -> memref<832x16xf32, #tpu.memory_space<hbm>>
      %dma_start3A_129 = arith.constant 0 : i32
      %dma_start3A_130 = tpu.memref_slice %arg9[%add3A_118, %dma_start3A_129] : memref<425984x16xf32, #tpu.memory_space<hbm>> -> memref<832x16xf32, #tpu.memory_space<hbm>>
      tpu.enqueue_dma source(%arg25 : memref<832x16xf32, #tpu.memory_space<vmem>>) target(%dma_start3A_130 : memref<832x16xf32, #tpu.memory_space<hbm>>) target_semaphore(%arg29 : memref<!tpu.dma_semaphore, #tpu.memory_space<semaphore_mem>>)
    }
    %scan3A_17 = arith.constant 8 : i32
    %dma_wait3A = arith.constant 0 : i32
    %dma_wait3A_18 = tpu.memref_slice %arg7[%mul3A_2, %dma_wait3A] : memref<425984x16xf32, #tpu.memory_space<hbm>> -> memref<832x16xf32, #tpu.memory_space<hbm>>
    %dma_wait3A_19 = arith.constant 0 : i32
    %dma_wait3A_20 = tpu.memref_slice %arg7[%mul3A_2, %dma_wait3A_19] : memref<425984x16xf32, #tpu.memory_space<hbm>> -> memref<832x16xf32, #tpu.memory_space<hbm>>
    tpu.wait_dma2 semaphore(%arg28 : memref<!tpu.dma_semaphore, #tpu.memory_space<semaphore_mem>>) src(%arg20 : memref<832x16xf32, #tpu.memory_space<vmem>>) dst(%dma_wait3A_20 : memref<832x16xf32, #tpu.memory_space<hbm>>)
    %dma_wait3A_21 = arith.constant 0 : i32
    %dma_wait3A_22 = tpu.memref_slice %arg8[%mul3A_2, %dma_wait3A_21] : memref<425984x16xf32, #tpu.memory_space<hbm>> -> memref<832x16xf32, #tpu.memory_space<hbm>>
    %dma_wait3A_23 = arith.constant 0 : i32
    %dma_wait3A_24 = tpu.memref_slice %arg8[%mul3A_2, %dma_wait3A_23] : memref<425984x16xf32, #tpu.memory_space<hbm>> -> memref<832x16xf32, #tpu.memory_space<hbm>>
    tpu.wait_dma2 semaphore(%arg28 : memref<!tpu.dma_semaphore, #tpu.memory_space<semaphore_mem>>) src(%arg21 : memref<832x16xf32, #tpu.memory_space<vmem>>) dst(%dma_wait3A_24 : memref<832x16xf32, #tpu.memory_space<hbm>>)
    %dma_wait3A_25 = arith.constant 0 : i32
    %dma_wait3A_26 = tpu.memref_slice %arg9[%mul3A_2, %dma_wait3A_25] : memref<425984x16xf32, #tpu.memory_space<hbm>> -> memref<832x16xf32, #tpu.memory_space<hbm>>
    %dma_wait3A_27 = arith.constant 0 : i32
    %dma_wait3A_28 = tpu.memref_slice %arg9[%mul3A_2, %dma_wait3A_27] : memref<425984x16xf32, #tpu.memory_space<hbm>> -> memref<832x16xf32, #tpu.memory_space<hbm>>
    tpu.wait_dma2 semaphore(%arg28 : memref<!tpu.dma_semaphore, #tpu.memory_space<semaphore_mem>>) src(%arg22 : memref<832x16xf32, #tpu.memory_space<vmem>>) dst(%dma_wait3A_28 : memref<832x16xf32, #tpu.memory_space<hbm>>)
    %dma_wait3A_29 = arith.constant 0 : i32
    %dma_wait3A_30 = tpu.memref_slice %arg7[%mul3A_2, %dma_wait3A_29] : memref<425984x16xf32, #tpu.memory_space<hbm>> -> memref<832x16xf32, #tpu.memory_space<hbm>>
    %dma_wait3A_31 = arith.constant 0 : i32
    %dma_wait3A_32 = tpu.memref_slice %arg7[%mul3A_2, %dma_wait3A_31] : memref<425984x16xf32, #tpu.memory_space<hbm>> -> memref<832x16xf32, #tpu.memory_space<hbm>>
    tpu.wait_dma2 semaphore(%arg29 : memref<!tpu.dma_semaphore, #tpu.memory_space<semaphore_mem>>) src(%arg23 : memref<832x16xf32, #tpu.memory_space<vmem>>) dst(%dma_wait3A_32 : memref<832x16xf32, #tpu.memory_space<hbm>>)
    %dma_wait3A_33 = arith.constant 0 : i32
    %dma_wait3A_34 = tpu.memref_slice %arg8[%mul3A_2, %dma_wait3A_33] : memref<425984x16xf32, #tpu.memory_space<hbm>> -> memref<832x16xf32, #tpu.memory_space<hbm>>
    %dma_wait3A_35 = arith.constant 0 : i32
    %dma_wait3A_36 = tpu.memref_slice %arg8[%mul3A_2, %dma_wait3A_35] : memref<425984x16xf32, #tpu.memory_space<hbm>> -> memref<832x16xf32, #tpu.memory_space<hbm>>
    tpu.wait_dma2 semaphore(%arg29 : memref<!tpu.dma_semaphore, #tpu.memory_space<semaphore_mem>>) src(%arg24 : memref<832x16xf32, #tpu.memory_space<vmem>>) dst(%dma_wait3A_36 : memref<832x16xf32, #tpu.memory_space<hbm>>)
    %dma_wait3A_37 = arith.constant 0 : i32
    %dma_wait3A_38 = tpu.memref_slice %arg9[%mul3A_2, %dma_wait3A_37] : memref<425984x16xf32, #tpu.memory_space<hbm>> -> memref<832x16xf32, #tpu.memory_space<hbm>>
    %dma_wait3A_39 = arith.constant 0 : i32
    %dma_wait3A_40 = tpu.memref_slice %arg9[%mul3A_2, %dma_wait3A_39] : memref<425984x16xf32, #tpu.memory_space<hbm>> -> memref<832x16xf32, #tpu.memory_space<hbm>>
    tpu.wait_dma2 semaphore(%arg29 : memref<!tpu.dma_semaphore, #tpu.memory_space<semaphore_mem>>) src(%arg25 : memref<832x16xf32, #tpu.memory_space<vmem>>) dst(%dma_wait3A_40 : memref<832x16xf32, #tpu.memory_space<hbm>>)
    return
  }
}

</mosaic_0001>

<sc_bundles>
// kernel: _run.3.cloned.1.call-start
scs
__scs_entry_jumppad:
0x0: {  	(pc) =	sbr.rel $0x88, $3  }
0x1: {  	(tag) =	ssettag $0x0;
	lr =	simm.s32 $0x1  }
0x2: {  	[smem:$0x3F9C] =	sst lr;
	_ =	strace $0xD0000000  }
0x3: {  	_ = 	snop  }
0x4: {  	_ = 	snop  }
0x5: {  	_ = 	snop  }
0x6: {  	_ = 	snop  }
0x7: {  	_ = 	snop  }
__scs_overlays_trampoline_lowered:
0x8: {  	[smem:$0x3FAB] =	sst s0  }
0x9: {  	[smem:$0x3FAC] =	sst s1  }
0xa: {  	[smem:$0x3FAD] =	sst s2  }
0xb: {  	[smem:$0x3FAE] =	sst s3  }
0xc: {  	[smem:$0x3FAF] =	sst s4  }
0xd: {  	[smem:$0x3FB0] =	sst s5  }
0xe: {  	[smem:$0x3FB1] =	sst s6  }
0xf: {  	[smem:$0x3FB2] =	sst s7  }
0x10: {  	[smem:$0x3FB3] =	sst s8  }
0x11: {  	[smem:$0x3FB4] =	sst s9;
	s0 =	simm.s32 @!p0 $0x0  }
0x12: {  	s1 =	sld [smem:$0x3F9A];
	s0 =	simm.s32 @p0 $0x1  }
0x13: {  	[smem:$0x3FB5] =	sst s0;
	s0 =	simm.s32 @!p1 $0x0  }
0x14: {  	s2 =	sld [smem:$0x3F99];
	s0 =	simm.s32 @p1 $0x1  }
0x15: {  	[smem:$0x3FB6] =	sst s0;
	s0 =	simm.s32 @!p2 $0x0  }
0x16: {  	s3 =	sld [smem:$0x3FDB];
	s0 =	simm.s32 @p2 $0x1  }
0x17: {  	s4 =	simm.s32 $0x1BF5;
	[smem:$0x3FB8] =	sst s0  }
0x18: {  	s0 =	sld [smem:$0x3F9B];
	_ =	swait.ge [sflag:s4], $0x0  }
0x19: {  	s7 =	sld [smem:$0x3F9C]  }
0x1a: {  	s8 =	sadd.s32 $0xFFFFE003, lr  }
0x1b: {  	s9 =	sadd.s32 $0xFFFFFEF7, lr;
	s5 =	simm.s32 $0xFFFFFFFF;
	p2 =	slt.u32 s8, $0xFFFFF086  }
0x1c: {  	p1 =	slt.u32 s9, $0xF7A;
	s5 =	simm.s32 @!p2 $0x0  }
0x1d: {  	s5 =	simm.s32 @p1 $0x1;
	p0 =	seq.s32 s7, s2  }
0x1e: {  	s7 =	smul.u32 @!p0 $0xF7A, s2;
	p2 =	seq.s32 @!p0 s5, $0x0  }
0x1f: {  	s9 =	smul.u32 $0xF7A, s1;
	s8 =	simm.s32 @!p0 $0x1BF5;
	p2 =	por !p2, p0  }
0x20: {  	[sflag:s8] =	ssyncset.s32 @!p0 $0xFFFFF086;
	s6 =	sadd.s32 @!p0 s3, s7;
	s7 =	simm.s32 @!p0 $0x108  }
0x21: {  	s3 =	sadd.s32 s3, s9;
	s6 =	sadd.s32 @!p0 $0x88, s6;
	s7 =	simm.s32 @p2 $0x1082  }
0x22: {  	[simem:s7], [sflag:s8] =	dma.local @!p0 [hbm:s6], $0xF7A  }
0x23: {  	s9 =	sor.u32 $0xD0000000, s2;
	s6 =	simm.s32 $0x108;
	_ =	swait.ge @!p0 [sflag:s8], $0x0  }
0x24: {  	s3 =	sadd.s32 $0x88, s3;
	s6 =	simm.s32 @!p1 $0x1082;
	[sflag:s4] =	ssyncset.s32 $0xFFFFF086  }
0x25: {  	[simem:s6], [sflag:s4] =	dma.local [hbm:s3], $0xF7A  }
0x26: {  	[smem:$0x3F9C] =	sst s1;
	(tag) =	ssettag s2;
	_ =	strace s9  }
0x27: {  	s1 =	sld [smem:$0x3FAC]  }
0x28: {  	s2 =	sld [smem:$0x3FAD]  }
0x29: {  	s4 =	sld [smem:$0x3FAF]  }
0x2a: {  	p0 =	seq.s32 s5, $0x0;
	s5 =	sld [smem:$0x3FB0]  }
0x2b: {  	s6 =	sld [smem:$0x3FB1]  }
0x2c: {  	s7 =	sld [smem:$0x3FB2]  }
0x2d: {  	s3 =	simm.s32 $0x108;
	s8 =	sld [smem:$0x3FB3]  }
0x2e: {  	s3 =	simm.s32 @!p0 $0x1082;
	s9 =	sld [smem:$0x3FB4]  }
0x2f: {  	lr =	sadd.s32 s0, s3;
	s0 =	sld [smem:$0x3FAB]  }
0x30: {  	s3 =	sld [smem:$0x3FAE]  }
0x31: {  	[smem:$0x3FB7] =	sst s10  }
0x32: {  	s10 =	sld [smem:$0x3FB5];
	_ =	sdelay $0x3  }
0x33: {  	p0 =	seq.s32 s10, $0x1;
	s10 =	sld [smem:$0x3FB7];
	_ =	sdelay $0x3  }
0x34: {  	[smem:$0x3FB7] =	sst s10  }
0x35: {  	s10 =	sld [smem:$0x3FB6];
	_ =	sdelay $0x3  }
0x36: {  	p1 =	seq.s32 s10, $0x1;
	s10 =	sld [smem:$0x3FB7];
	_ =	sdelay $0x3  }
0x37: {  	[smem:$0x3FB7] =	sst s10  }
0x38: {  	s10 =	sld [smem:$0x3FB8]  }
0x39: {  	_ = 	snop;
	(pc) =	sbr.ind lr, $3  }
0x3a: {  	_ = 	snop  }
0x3b: {  	_ = 	snop  }
0x3c: {  	p2 =	seq.s32 s10, $0x1;
	s10 =	sld [smem:$0x3FB7]  }
0x3d: {  	_ =	shalt  }
0x3e: {  	_ =	shalt  }
0x3f: {  	_ =	shalt  }
0x40: {  	_ =	shalt  }
0x41: {  	_ =	shalt  }
0x42: {  	_ =	shalt  }
0x43: {  	_ =	shalt  }
0x44: {  	_ =	shalt  }
0x45: {  	_ =	shalt  }
0x46: {  	_ =	shalt  }
0x47: {  	_ =	shalt  }
0x48: {  	_ =	shalt  }
0x49: {  	_ =	shalt  }
0x4a: {  	_ =	shalt  }
0x4b: {  	_ =	shalt  }
0x4c: {  	_ =	shalt  }
0x4d: {  	_ =	shalt  }
0x4e: {  	_ =	shalt  }
0x4f: {  	_ =	shalt  }
0x50: {  	_ =	shalt  }
0x51: {  	_ =	shalt  }
0x52: {  	_ =	shalt  }
0x53: {  	_ =	shalt  }
0x54: {  	_ =	shalt  }
0x55: {  	_ =	shalt  }
0x56: {  	_ =	shalt  }
0x57: {  	_ =	shalt  }
0x58: {  	_ =	shalt  }
0x59: {  	_ =	shalt  }
0x5a: {  	_ =	shalt  }
0x5b: {  	_ =	shalt  }
0x5c: {  	_ =	shalt  }
0x5d: {  	_ =	shalt  }
0x5e: {  	_ =	shalt  }
0x5f: {  	_ =	shalt  }
0x60: {  	_ =	shalt  }
0x61: {  	_ =	shalt  }
0x62: {  	_ =	shalt  }
0x63: {  	_ =	shalt  }
0x64: {  	_ =	shalt  }
0x65: {  	_ =	shalt  }
0x66: {  	_ =	shalt  }
0x67: {  	_ =	shalt  }
0x68: {  	_ =	shalt  }
0x69: {  	_ =	shalt  }
0x6a: {  	_ =	shalt  }
0x6b: {  	_ =	shalt  }
0x6c: {  	_ =	shalt  }
0x6d: {  	_ =	shalt  }
0x6e: {  	_ =	shalt  }
0x6f: {  	_ =	shalt  }
0x70: {  	_ =	shalt  }
0x71: {  	_ =	shalt  }
0x72: {  	_ =	shalt  }
0x73: {  	_ =	shalt  }
0x74: {  	_ =	shalt  }
0x75: {  	_ =	shalt  }
0x76: {  	_ =	shalt  }
0x77: {  	_ =	shalt  }
0x78: {  	_ =	shalt  }
0x79: {  	_ =	shalt  }
0x7a: {  	_ =	shalt  }
0x7b: {  	_ =	shalt  }
0x7c: {  	_ =	shalt  }
0x7d: {  	_ =	shalt  }
0x7e: {  	_ =	shalt  }
0x7f: {  	_ =	shalt  }
0x80: {  	_ =	shalt  }
0x81: {  	_ =	shalt  }
0x82: {  	_ =	shalt  }
0x83: {  	_ =	shalt  }
0x84: {  	_ =	shalt  }
0x85: {  	_ =	shalt  }
0x86: {  	_ =	shalt  }
0x87: {  	_ =	shalt  }
.Lfunc_end0:
.L_simem_size_0:
called_computation_lowered:
.L_overlay_start_0:
0x88: {  	s2 =	sld [smem:$0x3FD9]  }
0x89: {  	s3 =	sld [smem:$0x3FFE];
	_ =	sdelay $0x1  }
0x8a: {  	s1 =	srdreg.scid  }
0x8b: {  	s0 =	sand.u32 $0x1, s1  }
0x8c: {  	s14 =	sshll.u32 s0, $0xA;
	s2 =	sadd.s32 s3, s2  }
0x8d: {  	s2 =	sadd.s32 s2, s14  }
0x8e: {  	[smem:$0x3FC3] =	sst s2  }
0x8f: {  	_ = 	snop  }
0x90: {  	s2 =	sld [smem:$0x3FC9]  }
0x91: {  	s15 =	sld [smem:$0x3FD0]  }
0x92: {  	s4 =	sld [smem:$0x3FC7]  }
0x93: {  	s5 =	sld [smem:$0x3FC6]  }
0x94: {  	s7 =	simm.s32 $0xA;
	s8 =	simm.s32 $0x10;
	s6 =	sld [smem:$0x3FC5]  }
0x95: {  	[smem:s8], [sflag:s7] =	dma.local [hbm:s15], $0x1  }
0x96: {  	_ =	swait.eq [sflag:s7], $0x1  }
0x97: {  	[sflag:s7] =	ssyncset.done $0x0  }
0x98: {  	s16 =	sld [smem:$0x11];
	[sflag:s7] =	ssyncadd.s32 $0xFFFFFFFF  }
0x99: {  	s17 =	sld [smem:$0x12];
	(tm) =	ssettm $0x1  }
0x9a: {  	s18 =	sld [smem:$0x3FFB];
	_ =	sdelay $0x3  }
0x9b: {  	_ =	strace s18  }
0x9c: {  	s8 =	sld [smem:$0x3FFC];
	_ =	sdelay $0x3  }
0x9d: {  	_ =	strace s8  }
0x9e: {  	s8 =	sld [smem:$0x3FFD];
	_ =	sdelay $0x3  }
0x9f: {  	_ =	strace s8  }
0xa0: {  	_ =	strace $0x8FFFFFFF  }
0xa1: {  	s19 =	sld [smem:$0x3FDB];
	_ =	sdelay $0x1  }
0xa2: {  	s9 =	simm.s32 $_scs_section_size  }
0xa3: {  	s10 =	simm.s32 $_size__tile_overlayer_lowered;
	s11 =	simm.s32 $_tile_overlayer_lowered  }
0xa4: {  	s22 =	simm.s32 $0x1BFF;
	s21 =	sshll.u32 s11, $0x1;
	s8 =	sadd.s32 s9, s19  }
0xa5: {  	s12 =	simm.s32 $0x0;
	s20 =	sshll.u32 s10, $0x1;
	s10 =	sadd.s32 s21, s8  }
0xa6: {  	[timem:s12], [sflag:s22] =	dma.local [hbm:s10], s20  }
0xa7: {  	_ =	swait.ge [sflag:s22], s20  }
0xa8: {  	s9 =	ssub.s32 $0x0, s20;
	[sflag:s22] =	ssyncset.done $0x0  }
0xa9: {  	[sflag:s22] =	ssyncadd.s32 s9;
	_ =	sdelay $0x1  }
0xaa: {  	s23 =	simm.s32 $0x1B8B  }
0xab: {  	_ =	swait.ge [sflag:s23], $0x1  }
0xac: {  	[sflag:s23] =	ssyncset.done $0x0  }
0xad: {  	s25 =	simm.s32 $0x1B8E;
	s24 =	sld [smem:$0x3FFE];
	[sflag:s23] =	ssyncadd.s32 $0xFFFFFFFF  }
0xae: {  	s26 =	simm.s32 $execute0_lowered;
	[smem:$0x3FD2] =	sst s25  }
0xaf: {  	s10 =	sshll.u32 s26, $0x1;
	_ =	strace $0x80000046;
	[dreg:$0x1] =	wrdreg $0xFFFFFFFF  }
0xb0: {  	s28 =	simm.s32 $_size_execute0_lowered;
	s8 =	sadd.s32 s8, s10;
	[dreg:$0x0] =	wrdreg $0x0  }
0xb1: {  	s10 =	sshll.u32 s28, $0x1;
	[dreg:$0x2] =	wrdreg s8  }
0xb2: {  	[dreg:$0x3] =	wrdreg s10  }
0xb3: {  	[dreg:$0x4] =	wrdreg $0xC0  }
0xb4: {  	_ =	task [dreg:s12], $0x5FFFF  }
0xb5: {  	[dreg:$0x1] =	wrdreg $0xFFFFFFFF  }
0xb6: {  	[dreg:$0x0] =	wrdreg $0x60  }
0xb7: {  	[dreg:$0x2] =	wrdreg s2  }
0xb8: {  	[dreg:$0x3] =	wrdreg s24  }
0xb9: {  	[dreg:$0x4] =	wrdreg s4  }
0xba: {  	[dreg:$0x5] =	wrdreg s5  }
0xbb: {  	[dreg:$0x6] =	wrdreg s6  }
0xbc: {  	[dreg:$0x7] =	wrdreg s17  }
0xbd: {  	[dreg:$0x8] =	wrdreg s16  }
0xbe: {  	[dreg:$0x9] =	wrdreg $0x9  }
0xbf: {  	_ =	task.clear_ibuf [dreg:s12], $0xAFFFF;
	_ =	strace $0x90000046  }
0xc0: {  	s29 =	simm.s32 $0x9;
	_ =	strace $0x80000048  }
0xc1: {  	_ =	swait.ge [sflag:s29], $0x1  }
0xc2: {  	[sflag:s29] =	ssyncadd.s32 $0xFFFFFFFF  }
0xc3: {  	_ =	strace $0x90000048  }
0xc4: {  	_ =	sfence  }
0xc5: {  	s30 =	sld [smem:$0x0];
	_ =	sdelay $0x2  }
0xc6: {  	s31 =	sshll.u32 s1, $0xD;
	s1 =	sshrl.u32 s1, $0x2  }
0xc7: {  	s3 =	sand.u32 $0x4000, s31;
	s1 =	sadd.s32 s1, s30  }
0xc8: {  	s0 =	sor.u32 s3, s0;
	s1 =	sshll.u32 s1, $0x11  }
0xc9: {  	s0 =	sor.u32 s1, s0  }
0xca: {  	s0 =	sadd.s32 $0x8F2B, s0  }
0xcb: {  	[sflag:s0] =	ssyncadd.remote.s32 $0x1  }
0xcc: {  	_ =	sfence.sel $0xFFFF  }
0xcd: {  	[dreg:$0x0] =	wrdreg $0xFFFFFFFF;
	(pc) =	sbr.abs _section_cstart, $3  }
0xce: {  	[dreg:$0x1] =	wrdreg $0xFFFFFFFF  }
0xcf: {  	_ =	task.clear_ibuf [dreg:s12], $0x2FFFF;
	_ =	strace $0x9FFFFFFF  }
0xd0: {  	(tm) =	ssettm $0x7FFFFFFF  }
0xd1: {  	_ =	shalt  }
tec
execute0_lowered:
.L_overlay_start_1:
0x0: {  	(tag) =	ssettag $0x1  }
0x1: {  	s0 =	rddreg [dreg:$0x0]  }
0x2: {  	s2 =	rddreg [dreg:$0x1]  }
0x3: {  	s1 =	rddreg [dreg:$0x2]  }
0x4: {  	s3 =	rddreg [dreg:$0x3]  }
0x5: {  	s4 =	rddreg [dreg:$0x4]  }
0x6: {  	s6 =	rddreg [dreg:$0x5];
	s5 =	srdreg.scid  }
0x7: {  	s8 =	stileid.u32;
	s7 =	rddreg [dreg:$0x6];
	s16 =	simm.s32 $0x5  }
0x8: {  	s17 =	simm.s32 $0x340;
	s21 =	simm.s32 $0x4100;
	s29 =	simm.s32 $0xB600  }
0x9: {  	s30 =	simm.s32 $0xEA00;
	s31 =	simm.s32 $0x2;
	s18 =	simm.s32 $0x18600  }
0xa: {  	s20 =	simm.s32 $0x4;
	s15 =	simm.s32 $0x0;
	s5 =	sand.u32 $0x1, s5  }
0xb: {  	s9 =	sshll.u32 s8, $0x1;
	s8 =	simm.s32 $0x0;
	s10 =	sadd.s32 $0xF43000, s2  }
0xc: {  	s11 =	sadd.s32 $0xC00, s2;
	s9 =	sor.u32 s5, s9;
	s5 =	ssub.s32 $0x2, s5  }
0xd: {  	[smem:$0x7FF] =	sst s8;
	s9 =	smul.u32 $0x3400, s9;
	s12 =	sshrl.u32 s5, $0x1  }
0xe: {  	_ =	strace $0x80000047;
	s26 =	ssub.s32 s5, s12;
	s5 =	simm.s32 $0x11E00  }
0xf: {  	s13 =	sshrl.u32 s9, $0x3;
	s14 =	sadd.s32 $0x680, s9;
	s2 =	smax.u32 s26, $0x1  }
0x10: {  	s26 =	simm.s32 $0x1;
	s28 =	sadd.s32 s0, s13;
	[dreg:$0x9] =	wrdreg s2  }
0x11: {  	s13 =	sor.u32 $0x340, s9;
	s2 =	simm.s32 $0x15200;
	[dreg:$0x8] =	wrdreg s28  }
.LBB2_1:
0x12: {  	[dreg:$0xa] =	wrdreg s15  }
0x13: {  	s12 =	rddreg [dreg:$0x8]  }
0x14: {  	[tilespmem:s8], [sflag:$0x5] =	stream.linear.gather [hbm4b:s12+s8], $0x340, $0x38;
	[tilespmem:$0x1BA00] =	vst v63  }
0x15: {  	_ =	swait.ge [sflag:s16], $0x340  }
0x16: {  	[sflag:s16] =	ssyncset.done $0x0  }
0x17: {  	[sflag:s16] =	ssyncadd.s32 $0xFFFFFCC0  }
0x18: {  	[tilespmem:s17], [sflag:$0x1] =	stream.indirect.gather [hbm4b:s10+s17], $0x10, s8, s17, $0xb8;
	[tilespmem:$0x1BA00] =	vst v63  }
0x19: {  	s24 =	simm.s32 $0x3740  }
0x1a: {  	[tilespmem:s24], [sflag:$0x1] =	stream.indirect.gather [hbm4b:s1+s17], $0x1, s8, s17, $0xb8;
	[tilespmem:$0x1BA00] =	vst v63  }
0x1b: {  	s25 =	simm.s32 $0x3A80  }
0x1c: {  	[tilespmem:s25], [sflag:$0x1] =	stream.indirect.gather [hbm4b:s3+s17], $0x1, s8, s17, $0xb8;
	[tilespmem:$0x1BA00] =	vst v63  }
0x1d: {  	s28 =	simm.s32 $0x3DC0;
	s15 =	simm.s32 $0x0  }
0x1e: {  	[tilespmem:s28], [sflag:$0x1] =	stream.indirect.gather [hbm4b:s4+s17], $0x1, s8, s17, $0xb8;
	[tilespmem:$0x1BA00] =	vst v63  }
.LBB2_2:
0x1f: {  	s12 =	smul.u32 $0x680, s15;
	_ =	sdelay $0x1  }
0x20: {  	s19 =	sadd.s32 s12, s13  }
0x21: {  	s22 =	sshrl.u32 s19, $0x3  }
0x22: {  	s22 =	sadd.s32 s0, s22  }
0x23: {  	[tilespmem:s21], [sflag:$0x5] =	stream.linear.gather [hbm4b:s22+s8], $0x340, $0x38;
	[tilespmem:$0x1BA00] =	vst v63  }
0x24: {  	_ =	swait.ge [sflag:s16], $0x340  }
0x25: {  	[sflag:s16] =	ssyncset.done $0x0  }
0x26: {  	s23 =	simm.s32 $0x4440;
	[sflag:s16] =	ssyncadd.s32 $0xFFFFFCC0  }
0x27: {  	[tilespmem:s23], [sflag:$0x2] =	stream.indirect.gather [hbm4b:s10+s17], $0x10, s21, s17, $0xb8;
	[tilespmem:$0x1BA00] =	vst v63  }
0x28: {  	s24 =	simm.s32 $0x7840  }
0x29: {  	[tilespmem:s24], [sflag:$0x2] =	stream.indirect.gather [hbm4b:s1+s17], $0x1, s21, s17, $0xb8;
	[tilespmem:$0x1BA00] =	vst v63  }
0x2a: {  	s25 =	simm.s32 $0x7B80;
	p0 =	seq.s32 s15, $0x0  }
0x2b: {  	[tilespmem:s25], [sflag:$0x2] =	stream.indirect.gather [hbm4b:s3+s17], $0x1, s21, s17, $0xb8;
	[tilespmem:$0x1BA00] =	vst v63  }
0x2c: {  	s28 =	simm.s32 $0x7EC0;
	s22 =	simm.s32 @!p0 $0x3  }
0x2d: {  	[tilespmem:s28], [sflag:$0x2] =	stream.indirect.gather [hbm4b:s4+s17], $0x1, s21, s17, $0xb8;
	[tilespmem:$0x1BA00] =	vst v63  }
0x2e: {  	_ =	swait.ge @!p0 [sflag:s22], $0x3400  }
0x2f: {  	[sflag:s22] =	ssyncset.done @!p0 $0x0  }
0x30: {  	[sflag:s22] =	ssyncadd.s32 @!p0 $0xFFFFCC00  }
0x31: {  	_ =	swait.ge @!p0 [sflag:s22], $0x3400  }
0x32: {  	[sflag:s22] =	ssyncset.done @!p0 $0x0  }
0x33: {  	[sflag:s22] =	ssyncadd.s32 @!p0 $0xFFFFCC00  }
0x34: {  	_ =	swait.ge @!p0 [sflag:s22], $0x3400  }
0x35: {  	[sflag:s22] =	ssyncset.done @!p0 $0x0  }
0x36: {  	[sflag:s22] =	ssyncadd.s32 @!p0 $0xFFFFCC00  }
0x37: {  	_ =	swait.ge [sflag:s26], $0x3400  }
0x38: {  	[sflag:s26] =	ssyncset.done $0x0  }
0x39: {  	[sflag:s26] =	ssyncadd.s32 $0xFFFFCC00  }
0x3a: {  	_ =	swait.ge [sflag:s26], $0x340  }
0x3b: {  	[sflag:s26] =	ssyncset.done $0x0  }
0x3c: {  	[sflag:s26] =	ssyncadd.s32 $0xFFFFFCC0  }
0x3d: {  	_ =	swait.ge [sflag:s26], $0x340  }
0x3e: {  	[sflag:s26] =	ssyncset.done $0x0  }
0x3f: {  	[sflag:s26] =	ssyncadd.s32 $0xFFFFFCC0  }
0x40: {  	_ =	swait.ge [sflag:s26], $0x340  }
0x41: {  	s23 =	simm.s32 $0x3DC0;
	s24 =	simm.s32 $0x3A80;
	[sflag:s26] =	ssyncset.done $0x0  }
0x42: {  	s25 =	simm.s32 $0x3740;
	s22 =	simm.s32 $0x0;
	[sflag:s26] =	ssyncadd.s32 $0xFFFFFCC0  }
.LBB2_3:
0x43: {  	v0 =	vld [tilespmem:s25+$0x0];
	_ =	sdelay $0x4  }
0x44: {  	v0 =	vsub.f32 $0.0e+00, v0;
	_ =	sdelay $0x1  }
0x45: {  	v0 =	vmul.f32 $1.442695020e+00, v0;
	_ =	sdelay $0x1  }
0x46: {  	(erf) = vpow2.f32 v0;
	_ =	sdelay $0x3  }
0x47: {  	v16 =	vld [tilespmem:s24+$0x0];
	_ =	sdelay $0x4  }
0x48: {  	v0 =	vsub.f32 $0.0e+00, v16;
	v1 =	vpop (erf)  }
0x49: {  	v1 =	vadd.f32 $1.000000000e+00, v1  }
0x4a: {  	v0 =	vmul.f32 $1.442695020e+00, v0  }
0x4b: {  	(erf) = vrcp.f32 v1  }
0x4c: {  	(erf) = vpow2.f32 v0;
	_ =	sdelay $0x7  }
0x4d: {  	v1 =	vpop (erf)  }
0x4e: {  	v2 =	vpop (erf)  }
0x4f: {  	v2 =	vadd.f32 $1.000000000e+00, v2  }
0x50: {  	v17 =	vld [tilespmem:s23+$0x0]  }
0x51: {  	(erf) = vrcp.f32 v2;
	_ =	sdelay $0x3  }
0x52: {  	v0 =	vsub.f32 $0.0e+00, v17;
	_ =	sdelay $0x1  }
0x53: {  	v0 =	vmul.f32 $1.442695020e+00, v0;
	_ =	sdelay $0x1  }
0x54: {  	s28 =	sshra.s32 s22, $0x2;
	(erf) = vpow2.f32 v0  }
0x55: {  	v3 =	vld [tilespmem:s28+$0x340];
	v18 =	vpop (erf)  }
0x56: {  	v5 =	vld [tilespmem:s28+$0x350];
	v0 =	vadd.f32 v18, v18  }
0x57: {  	v9 =	vld [tilespmem:s28+$0x360]  }
0x58: {  	v25 =	vld [tilespmem:s28+$0x370];
	v4 =	vbroadcast v0, $0x0  }
0x59: {  	v31 =	vld [tilespmem:s28+$0x380];
	v8 =	vbroadcast v0, $0x1;
	v24 =	vbroadcast v0, $0x2  }
0x5a: {  	v38 =	vld [tilespmem:s28+$0x390];
	v30 =	vbroadcast v0, $0x3;
	v4 =	vmul.f32 v4, v3  }
0x5b: {  	v45 =	vld [tilespmem:s28+$0x3A0];
	v37 =	vbroadcast v0, $0x4;
	v21 =	vmul.f32 v8, v5  }
0x5c: {  	v52 =	vld [tilespmem:s28+$0x3B0];
	v44 =	vbroadcast v0, $0x5;
	v27 =	vmul.f32 v9, v24;
	[tilespmem:s28+$0x8200] =	vst v4  }
0x5d: {  	v59 =	vld [tilespmem:s28+$0x3C0];
	v1 =	vadd.f32 v1, v1;
	v19 =	vpop (erf);
	v51 =	vbroadcast v0, $0x6;
	v34 =	vmul.f32 v25, v30;
	[tilespmem:s28+$0x8210] =	vst v21  }
0x5e: {  	v2 =	vadd.f32 $1.000000000e+00, v19;
	v58 =	vbroadcast v0, $0x7;
	v41 =	vmul.f32 v31, v37;
	[tilespmem:s28+$0x8220] =	vst v27  }
0x5f: {  	vm0 =	vgt.f32 v0, $1.000000000e+00;
	v13 =	vbroadcast v0, $0x8;
	v48 =	vmul.f32 v38, v44;
	[tilespmem:s28+$0x8230] =	vst v34  }
0x60: {  	(erf) = vrcp.f32 v2;
	v1 =	vsel vm0, v0, v1;
	v55 =	vmul.f32 v45, v51;
	[tilespmem:s28+$0x8240] =	vst v41  }
0x61: {  	v6 =	vbroadcast v1, $0x0;
	v62 =	vmul.f32 v52, v58;
	[tilespmem:s28+$0x8250] =	vst v48  }
0x62: {  	v20 =	vbroadcast v1, $0x1;
	v17 =	vmul.f32 v59, v13;
	[tilespmem:s28+$0x8260] =	vst v55  }
0x63: {  	v26 =	vbroadcast v1, $0x2;
	v6 =	vmul.f32 v6, v3;
	[tilespmem:s28+$0x8270] =	vst v62  }
0x64: {  	v33 =	vbroadcast v1, $0x3;
	v23 =	vmul.f32 v20, v5;
	[tilespmem:s28+$0x8280] =	vst v17  }
0x65: {  	v40 =	vbroadcast v1, $0x4;
	v29 =	vmul.f32 v9, v26;
	[tilespmem:s28+$0xB600] =	vst v6  }
0x66: {  	v47 =	vbroadcast v1, $0x5;
	v36 =	vmul.f32 v25, v33;
	[tilespmem:s28+$0xB610] =	vst v23  }
0x67: {  	v14 =	vld [tilespmem:s28+$0x3D0];
	v54 =	vbroadcast v1, $0x6;
	v43 =	vmul.f32 v31, v40;
	[tilespmem:s28+$0xB620] =	vst v29  }
0x68: {  	v61 =	vbroadcast v1, $0x7;
	v50 =	vmul.f32 v38, v47;
	[tilespmem:s28+$0xB630] =	vst v36  }
0x69: {  	v16 =	vbroadcast v1, $0x8;
	v57 =	vmul.f32 v45, v54;
	v21 =	vld [tilespmem:s28+$0x3E0];
	[tilespmem:s28+$0xB640] =	vst v43;
	v2 =	vpop (erf)  }
0x6a: {  	v12 =	vmul.f32 v52, v61;
	v20 =	vbroadcast v0, $0x9;
	[tilespmem:s28+$0xB650] =	vst v50;
	v2 =	vadd.f32 v2, v2  }
0x6b: {  	v19 =	vmul.f32 v59, v16;
	[tilespmem:s28+$0xB660] =	vst v57;
	v23 =	vbroadcast v1, $0x9  }
0x6c: {  	v30 =	vbroadcast v1, $0xA;
	[tilespmem:s28+$0xB670] =	vst v12;
	v24 =	vmul.f32 v14, v20;
	v2 =	vsel vm0, v0, v2  }
0x6d: {  	[tilespmem:s28+$0xB680] =	vst v19;
	v26 =	vmul.f32 v14, v23;
	v7 =	vbroadcast v2, $0x0  }
0x6e: {  	[tilespmem:s28+$0x8290] =	vst v24;
	v33 =	vmul.f32 v21, v30;
	v22 =	vbroadcast v2, $0x1  }
0x6f: {  	[tilespmem:s28+$0xB690] =	vst v26;
	v28 =	vbroadcast v2, $0x2;
	v3 =	vmul.f32 v7, v3  }
0x70: {  	[tilespmem:s28+$0xB6A0] =	vst v33;
	v35 =	vbroadcast v2, $0x3;
	v5 =	vmul.f32 v22, v5  }
0x71: {  	v42 =	vbroadcast v2, $0x4;
	v32 =	vmul.f32 v9, v28;
	[tilespmem:s28+$0xEA00] =	vst v3  }
0x72: {  	v49 =	vbroadcast v2, $0x5;
	v39 =	vmul.f32 v25, v35;
	[tilespmem:s28+$0xEA10] =	vst v5  }
0x73: {  	v56 =	vbroadcast v2, $0x6;
	v46 =	vmul.f32 v31, v42;
	[tilespmem:s28+$0xEA20] =	vst v32  }
0x74: {  	v63 =	vbroadcast v2, $0x7;
	v53 =	vmul.f32 v38, v49;
	[tilespmem:s28+$0xEA30] =	vst v39  }
0x75: {  	v18 =	vbroadcast v2, $0x8;
	v60 =	vmul.f32 v45, v56;
	[tilespmem:s28+$0xEA40] =	vst v46  }
0x76: {  	v27 =	vbroadcast v0, $0xA;
	v15 =	vmul.f32 v52, v63;
	v28 =	vld [tilespmem:s28+$0x3F0];
	[tilespmem:s28+$0xEA50] =	vst v53  }
0x77: {  	v22 =	vmul.f32 v59, v18;
	v25 =	vbroadcast v2, $0x9;
	[tilespmem:s28+$0xEA60] =	vst v60  }
0x78: {  	v31 =	vmul.f32 v21, v27;
	[tilespmem:s28+$0xEA70] =	vst v15;
	v32 =	vbroadcast v2, $0xA  }
0x79: {  	v34 =	vbroadcast v0, $0xB;
	v35 =	vld [tilespmem:s28+$0x400];
	[tilespmem:s28+$0xEA80] =	vst v22;
	v29 =	vmul.f32 v14, v25  }
0x7a: {  	v37 =	vbroadcast v1, $0xB;
	[tilespmem:s28+$0x82A0] =	vst v31;
	v36 =	vmul.f32 v21, v32  }
0x7b: {  	v39 =	vbroadcast v2, $0xB;
	[tilespmem:s28+$0xEA90] =	vst v29;
	v38 =	vmul.f32 v28, v34  }
0x7c: {  	v41 =	vbroadcast v0, $0xC;
	v42 =	vld [tilespmem:s28+$0x410];
	v40 =	vmul.f32 v28, v37;
	[tilespmem:s28+$0xEAA0] =	vst v36  }
0x7d: {  	v44 =	vbroadcast v1, $0xC;
	v43 =	vmul.f32 v28, v39;
	[tilespmem:s28+$0x82B0] =	vst v38  }
0x7e: {  	v46 =	vbroadcast v2, $0xC;
	v45 =	vmul.f32 v35, v41;
	[tilespmem:s28+$0xB6B0] =	vst v40  }
0x7f: {  	v48 =	vbroadcast v0, $0xD;
	v49 =	vld [tilespmem:s28+$0x420];
	v47 =	vmul.f32 v35, v44;
	[tilespmem:s28+$0xEAB0] =	vst v43  }
0x80: {  	v51 =	vbroadcast v1, $0xD;
	v50 =	vmul.f32 v35, v46;
	[tilespmem:s28+$0x82C0] =	vst v45  }
0x81: {  	v53 =	vbroadcast v2, $0xD;
	v52 =	vmul.f32 v42, v48;
	[tilespmem:s28+$0xB6C0] =	vst v47  }
0x82: {  	v55 =	vbroadcast v0, $0xE;
	v56 =	vld [tilespmem:s28+$0x430];
	v54 =	vmul.f32 v42, v51;
	[tilespmem:s28+$0xEAC0] =	vst v50  }
0x83: {  	v58 =	vbroadcast v1, $0xE;
	v57 =	vmul.f32 v42, v53;
	[tilespmem:s28+$0x82D0] =	vst v52  }
0x84: {  	v60 =	vbroadcast v2, $0xE;
	v59 =	vmul.f32 v49, v55;
	[tilespmem:s28+$0xB6D0] =	vst v54  }
0x85: {  	v0 =	vbroadcast v0, $0xF;
	v61 =	vmul.f32 v49, v58;
	[tilespmem:s28+$0xEAD0] =	vst v57  }
0x86: {  	p0 =	sne.s32 s22, $0xCC00;
	v1 =	vbroadcast v1, $0xF;
	v62 =	vmul.f32 v49, v60;
	[tilespmem:s28+$0x82E0] =	vst v59  }
.Ltmp0:
0x87: {  	v2 =	vbroadcast v2, $0xF;
	v0 =	vmul.f32 v56, v0;
	[tilespmem:s28+$0xB6E0] =	vst v61;
	(pc) =	sbr.rel @p0 .LBB2_3-.Ltmp0, $4  }
0x88: {  	v1 =	vmul.f32 v56, v1;
	[tilespmem:s28+$0xEAE0] =	vst v62  }
0x89: {  	v63 =	vmul.f32 v56, v2;
	[tilespmem:s28+$0x82F0] =	vst v0  }
0x8a: {  	s23 =	sadd.s32 $0x10, s23;
	[tilespmem:s28+$0xB6F0] =	vst v1  }
0x8b: {  	s24 =	sadd.s32 $0x10, s24;
	s25 =	sadd.s32 $0x10, s25;
	s22 =	sadd.s32 $0x400, s22;
	[tilespmem:s28+$0xEAF0] =	vst v63  }
0x8c: {  	s22 =	sadd.s32 s9, s12  }
0x8d: {  	s22 =	sshll.u32 s22, $0x1  }
0x8e: {  	s24 =	simm.s32 $0x8200;
	p0 =	seq.s32 s15, $0x7;
	s23 =	sadd.s32 s6, s22  }
0x8f: {  	[hbm4b:s23+s8] =	stream.linear.scatter [tilespmem:s24], [sflag:$0x3], $0x3400, $0x38;
	[tilespmem:$0x1BA00] =	vst v63  }
0x90: {  	s12 =	sadd.s32 @!p0 s12, s14;
	s28 =	sadd.s32 s7, s22  }
0x91: {  	[hbm4b:s28+s8] =	stream.linear.scatter [tilespmem:s29], [sflag:$0x3], $0x3400, $0x38;
	[tilespmem:$0x1BA00] =	vst v63  }
0x92: {  	s22 =	sadd.s32 s11, s22;
	s12 =	sshrl.u32 @!p0 s12, $0x3  }
0x93: {  	[hbm4b:s22+s8] =	stream.linear.scatter [tilespmem:s30], [sflag:$0x3], $0x3400, $0x38;
	[tilespmem:$0x1BA00] =	vst v63  }
0x94: {  	s12 =	sadd.s32 @!p0 s0, s12;
	s22 =	simm.s32 @!p0 $0x0  }
0x95: {  	[tilespmem:s22], [sflag:$0x5] =	stream.linear.gather @!p0 [hbm4b:s12+s22], $0x340, $0x38;
	[tilespmem:$0x1BA00] =	vst v63  }
0x96: {  	s12 =	simm.s32 @!p0 $0x5  }
0x97: {  	_ =	swait.ge @!p0 [sflag:s12], $0x340  }
0x98: {  	[sflag:s12] =	ssyncset.done @!p0 $0x0  }
0x99: {  	[sflag:s12] =	ssyncadd.s32 @!p0 $0xFFFFFCC0;
	s12 =	simm.s32 @!p0 $0x340  }
0x9a: {  	[tilespmem:s12], [sflag:$0x1] =	stream.indirect.gather @!p0 [hbm4b:s10+s12], $0x10, s22, s12, $0xb8;
	[tilespmem:$0x1BA00] =	vst v63  }
0x9b: {  	s23 =	simm.s32 @!p0 $0x3740  }
0x9c: {  	[tilespmem:s23], [sflag:$0x1] =	stream.indirect.gather @!p0 [hbm4b:s1+s12], $0x1, s22, s12, $0xb8;
	[tilespmem:$0x1BA00] =	vst v63  }
0x9d: {  	s23 =	simm.s32 @!p0 $0x3A80  }
0x9e: {  	[tilespmem:s23], [sflag:$0x1] =	stream.indirect.gather @!p0 [hbm4b:s3+s12], $0x1, s22, s12, $0xb8;
	[tilespmem:$0x1BA00] =	vst v63  }
0x9f: {  	p1 =	seq.s32 @!p0 s15, $0x0;
	s23 =	simm.s32 @!p0 $0x3DC0  }
0xa0: {  	[tilespmem:s23], [sflag:$0x1] =	stream.indirect.gather @!p0 [hbm4b:s4+s12], $0x1, s22, s12, $0xb8;
	[tilespmem:$0x1BA00] =	vst v63  }
0xa1: {  	p0 =	por p0, !p1  }
0xa2: {  	_ =	swait.ge @p0 [sflag:s20], $0x3400  }
0xa3: {  	[sflag:s20] =	ssyncset.done @p0 $0x0  }
0xa4: {  	[sflag:s20] =	ssyncadd.s32 @p0 $0xFFFFCC00  }
0xa5: {  	_ =	swait.ge @p0 [sflag:s20], $0x3400  }
0xa6: {  	[sflag:s20] =	ssyncset.done @p0 $0x0  }
0xa7: {  	[sflag:s20] =	ssyncadd.s32 @p0 $0xFFFFCC00  }
0xa8: {  	_ =	swait.ge @p0 [sflag:s20], $0x3400  }
0xa9: {  	[sflag:s20] =	ssyncset.done @p0 $0x0  }
0xaa: {  	[sflag:s20] =	ssyncadd.s32 @p0 $0xFFFFCC00  }
0xab: {  	_ =	swait.ge [sflag:s31], $0x3400  }
0xac: {  	[sflag:s31] =	ssyncset.done $0x0  }
0xad: {  	[sflag:s31] =	ssyncadd.s32 $0xFFFFCC00  }
0xae: {  	_ =	swait.ge [sflag:s31], $0x340  }
0xaf: {  	[sflag:s31] =	ssyncset.done $0x0  }
0xb0: {  	[sflag:s31] =	ssyncadd.s32 $0xFFFFFCC0  }
0xb1: {  	_ =	swait.ge [sflag:s31], $0x340  }
0xb2: {  	[sflag:s31] =	ssyncset.done $0x0  }
0xb3: {  	[sflag:s31] =	ssyncadd.s32 $0xFFFFFCC0  }
0xb4: {  	s15 =	sadd.s32 $0x1, s15;
	_ =	swait.ge [sflag:s31], $0x340  }
0xb5: {  	s24 =	simm.s32 $0x7840;
	s12 =	simm.s32 $0x0;
	[sflag:s31] =	ssyncset.done $0x0  }
0xb6: {  	s22 =	simm.s32 $0x7EC0;
	s23 =	simm.s32 $0x7B80;
	[sflag:s31] =	ssyncadd.s32 $0xFFFFFCC0  }
.LBB2_5:
0xb7: {  	v0 =	vld [tilespmem:s24+$0x0];
	_ =	sdelay $0x4  }
0xb8: {  	v0 =	vsub.f32 $0.0e+00, v0;
	_ =	sdelay $0x1  }
0xb9: {  	v0 =	vmul.f32 $1.442695020e+00, v0;
	_ =	sdelay $0x1  }
0xba: {  	(erf) = vpow2.f32 v0;
	_ =	sdelay $0x3  }
0xbb: {  	v16 =	vld [tilespmem:s23+$0x0];
	_ =	sdelay $0x4  }
0xbc: {  	v0 =	vsub.f32 $0.0e+00, v16;
	v1 =	vpop (erf)  }
0xbd: {  	v1 =	vadd.f32 $1.000000000e+00, v1  }
0xbe: {  	v0 =	vmul.f32 $1.442695020e+00, v0  }
0xbf: {  	(erf) = vrcp.f32 v1  }
0xc0: {  	(erf) = vpow2.f32 v0;
	_ =	sdelay $0x7  }
0xc1: {  	v1 =	vpop (erf)  }
0xc2: {  	v2 =	vpop (erf)  }
0xc3: {  	v2 =	vadd.f32 $1.000000000e+00, v2  }
0xc4: {  	v17 =	vld [tilespmem:s22+$0x0]  }
0xc5: {  	(erf) = vrcp.f32 v2;
	_ =	sdelay $0x3  }
0xc6: {  	v0 =	vsub.f32 $0.0e+00, v17;
	_ =	sdelay $0x1  }
0xc7: {  	v0 =	vmul.f32 $1.442695020e+00, v0;
	_ =	sdelay $0x1  }
0xc8: {  	s25 =	sshra.s32 s12, $0x2;
	(erf) = vpow2.f32 v0  }
0xc9: {  	v3 =	vld [tilespmem:s25+$0x4440];
	v18 =	vpop (erf)  }
0xca: {  	v5 =	vld [tilespmem:s25+$0x4450];
	v0 =	vadd.f32 v18, v18  }
0xcb: {  	v9 =	vld [tilespmem:s25+$0x4460]  }
0xcc: {  	v25 =	vld [tilespmem:s25+$0x4470];
	v4 =	vbroadcast v0, $0x0  }
0xcd: {  	v31 =	vld [tilespmem:s25+$0x4480];
	v8 =	vbroadcast v0, $0x1;
	v24 =	vbroadcast v0, $0x2  }
0xce: {  	v38 =	vld [tilespmem:s25+$0x4490];
	v30 =	vbroadcast v0, $0x3;
	v4 =	vmul.f32 v4, v3  }
0xcf: {  	v45 =	vld [tilespmem:s25+$0x44A0];
	v37 =	vbroadcast v0, $0x4;
	v21 =	vmul.f32 v8, v5  }
0xd0: {  	v52 =	vld [tilespmem:s25+$0x44B0];
	v44 =	vbroadcast v0, $0x5;
	v27 =	vmul.f32 v9, v24;
	[tilespmem:s25+$0x11E00] =	vst v4  }
0xd1: {  	v59 =	vld [tilespmem:s25+$0x44C0];
	v1 =	vadd.f32 v1, v1;
	v19 =	vpop (erf);
	v51 =	vbroadcast v0, $0x6;
	v34 =	vmul.f32 v25, v30;
	[tilespmem:s25+$0x11E10] =	vst v21  }
0xd2: {  	v2 =	vadd.f32 $1.000000000e+00, v19;
	v58 =	vbroadcast v0, $0x7;
	v41 =	vmul.f32 v31, v37;
	[tilespmem:s25+$0x11E20] =	vst v27  }
0xd3: {  	vm0 =	vgt.f32 v0, $1.000000000e+00;
	v13 =	vbroadcast v0, $0x8;
	v48 =	vmul.f32 v38, v44;
	[tilespmem:s25+$0x11E30] =	vst v34  }
0xd4: {  	(erf) = vrcp.f32 v2;
	v1 =	vsel vm0, v0, v1;
	v55 =	vmul.f32 v45, v51;
	[tilespmem:s25+$0x11E40] =	vst v41  }
0xd5: {  	v6 =	vbroadcast v1, $0x0;
	v62 =	vmul.f32 v52, v58;
	[tilespmem:s25+$0x11E50] =	vst v48  }
0xd6: {  	v20 =	vbroadcast v1, $0x1;
	v17 =	vmul.f32 v59, v13;
	[tilespmem:s25+$0x11E60] =	vst v55  }
0xd7: {  	v26 =	vbroadcast v1, $0x2;
	v6 =	vmul.f32 v6, v3;
	[tilespmem:s25+$0x11E70] =	vst v62  }
0xd8: {  	v33 =	vbroadcast v1, $0x3;
	v23 =	vmul.f32 v20, v5;
	[tilespmem:s25+$0x11E80] =	vst v17  }
0xd9: {  	v40 =	vbroadcast v1, $0x4;
	v29 =	vmul.f32 v9, v26;
	[tilespmem:s25+$0x15200] =	vst v6  }
0xda: {  	v47 =	vbroadcast v1, $0x5;
	v36 =	vmul.f32 v25, v33;
	[tilespmem:s25+$0x15210] =	vst v23  }
0xdb: {  	v14 =	vld [tilespmem:s25+$0x44D0];
	v54 =	vbroadcast v1, $0x6;
	v43 =	vmul.f32 v31, v40;
	[tilespmem:s25+$0x15220] =	vst v29  }
0xdc: {  	v61 =	vbroadcast v1, $0x7;
	v50 =	vmul.f32 v38, v47;
	[tilespmem:s25+$0x15230] =	vst v36  }
0xdd: {  	v16 =	vbroadcast v1, $0x8;
	v57 =	vmul.f32 v45, v54;
	v21 =	vld [tilespmem:s25+$0x44E0];
	[tilespmem:s25+$0x15240] =	vst v43;
	v2 =	vpop (erf)  }
0xde: {  	v12 =	vmul.f32 v52, v61;
	v20 =	vbroadcast v0, $0x9;
	[tilespmem:s25+$0x15250] =	vst v50;
	v2 =	vadd.f32 v2, v2  }
0xdf: {  	v19 =	vmul.f32 v59, v16;
	[tilespmem:s25+$0x15260] =	vst v57;
	v23 =	vbroadcast v1, $0x9  }
0xe0: {  	v30 =	vbroadcast v1, $0xA;
	[tilespmem:s25+$0x15270] =	vst v12;
	v24 =	vmul.f32 v14, v20;
	v2 =	vsel vm0, v0, v2  }
0xe1: {  	[tilespmem:s25+$0x15280] =	vst v19;
	v26 =	vmul.f32 v14, v23;
	v7 =	vbroadcast v2, $0x0  }
0xe2: {  	[tilespmem:s25+$0x11E90] =	vst v24;
	v33 =	vmul.f32 v21, v30;
	v22 =	vbroadcast v2, $0x1  }
0xe3: {  	[tilespmem:s25+$0x15290] =	vst v26;
	v28 =	vbroadcast v2, $0x2;
	v3 =	vmul.f32 v7, v3  }
0xe4: {  	[tilespmem:s25+$0x152A0] =	vst v33;
	v35 =	vbroadcast v2, $0x3;
	v5 =	vmul.f32 v22, v5  }
0xe5: {  	v42 =	vbroadcast v2, $0x4;
	v32 =	vmul.f32 v9, v28;
	[tilespmem:s25+$0x18600] =	vst v3  }
0xe6: {  	v49 =	vbroadcast v2, $0x5;
	v39 =	vmul.f32 v25, v35;
	[tilespmem:s25+$0x18610] =	vst v5  }
0xe7: {  	v56 =	vbroadcast v2, $0x6;
	v46 =	vmul.f32 v31, v42;
	[tilespmem:s25+$0x18620] =	vst v32  }
0xe8: {  	v63 =	vbroadcast v2, $0x7;
	v53 =	vmul.f32 v38, v49;
	[tilespmem:s25+$0x18630] =	vst v39  }
0xe9: {  	v18 =	vbroadcast v2, $0x8;
	v60 =	vmul.f32 v45, v56;
	[tilespmem:s25+$0x18640] =	vst v46  }
0xea: {  	v27 =	vbroadcast v0, $0xA;
	v15 =	vmul.f32 v52, v63;
	v28 =	vld [tilespmem:s25+$0x44F0];
	[tilespmem:s25+$0x18650] =	vst v53  }
0xeb: {  	v22 =	vmul.f32 v59, v18;
	v25 =	vbroadcast v2, $0x9;
	[tilespmem:s25+$0x18660] =	vst v60  }
0xec: {  	v31 =	vmul.f32 v21, v27;
	[tilespmem:s25+$0x18670] =	vst v15;
	v32 =	vbroadcast v2, $0xA  }
0xed: {  	v34 =	vbroadcast v0, $0xB;
	v35 =	vld [tilespmem:s25+$0x4500];
	[tilespmem:s25+$0x18680] =	vst v22;
	v29 =	vmul.f32 v14, v25  }
0xee: {  	v37 =	vbroadcast v1, $0xB;
	[tilespmem:s25+$0x11EA0] =	vst v31;
	v36 =	vmul.f32 v21, v32  }
0xef: {  	v39 =	vbroadcast v2, $0xB;
	[tilespmem:s25+$0x18690] =	vst v29;
	v38 =	vmul.f32 v28, v34  }
0xf0: {  	v41 =	vbroadcast v0, $0xC;
	v42 =	vld [tilespmem:s25+$0x4510];
	v40 =	vmul.f32 v28, v37;
	[tilespmem:s25+$0x186A0] =	vst v36  }
0xf1: {  	v44 =	vbroadcast v1, $0xC;
	v43 =	vmul.f32 v28, v39;
	[tilespmem:s25+$0x11EB0] =	vst v38  }
0xf2: {  	v46 =	vbroadcast v2, $0xC;
	v45 =	vmul.f32 v35, v41;
	[tilespmem:s25+$0x152B0] =	vst v40  }
0xf3: {  	v48 =	vbroadcast v0, $0xD;
	v49 =	vld [tilespmem:s25+$0x4520];
	v47 =	vmul.f32 v35, v44;
	[tilespmem:s25+$0x186B0] =	vst v43  }
0xf4: {  	v51 =	vbroadcast v1, $0xD;
	v50 =	vmul.f32 v35, v46;
	[tilespmem:s25+$0x11EC0] =	vst v45  }
0xf5: {  	v53 =	vbroadcast v2, $0xD;
	v52 =	vmul.f32 v42, v48;
	[tilespmem:s25+$0x152C0] =	vst v47  }
0xf6: {  	v55 =	vbroadcast v0, $0xE;
	v56 =	vld [tilespmem:s25+$0x4530];
	v54 =	vmul.f32 v42, v51;
	[tilespmem:s25+$0x186C0] =	vst v50  }
0xf7: {  	v58 =	vbroadcast v1, $0xE;
	v57 =	vmul.f32 v42, v53;
	[tilespmem:s25+$0x11ED0] =	vst v52  }
0xf8: {  	v60 =	vbroadcast v2, $0xE;
	v59 =	vmul.f32 v49, v55;
	[tilespmem:s25+$0x152D0] =	vst v54  }
0xf9: {  	v0 =	vbroadcast v0, $0xF;
	v61 =	vmul.f32 v49, v58;
	[tilespmem:s25+$0x186D0] =	vst v57  }
0xfa: {  	p0 =	sne.s32 s12, $0xCC00;
	v1 =	vbroadcast v1, $0xF;
	v62 =	vmul.f32 v49, v60;
	[tilespmem:s25+$0x11EE0] =	vst v59  }
.Ltmp1:
0xfb: {  	v2 =	vbroadcast v2, $0xF;
	v0 =	vmul.f32 v56, v0;
	[tilespmem:s25+$0x152E0] =	vst v61;
	(pc) =	sbr.rel @p0 .LBB2_5-.Ltmp1, $4  }
0xfc: {  	v1 =	vmul.f32 v56, v1;
	[tilespmem:s25+$0x186E0] =	vst v62  }
0xfd: {  	v63 =	vmul.f32 v56, v2;
	[tilespmem:s25+$0x11EF0] =	vst v0  }
0xfe: {  	s22 =	sadd.s32 $0x10, s22;
	[tilespmem:s25+$0x152F0] =	vst v1  }
0xff: {  	s23 =	sadd.s32 $0x10, s23;
	s24 =	sadd.s32 $0x10, s24;
	s12 =	sadd.s32 $0x400, s12;
	[tilespmem:s25+$0x186F0] =	vst v63  }
0x100: {  	s12 =	sshll.u32 s19, $0x1  }
0x101: {  	s12 =	sand.u32 $0x1FFFFF80, s12  }
0x102: {  	p0 =	sne.s32 s15, $0x8;
	s25 =	sadd.s32 s6, s12  }
0x103: {  	[hbm4b:s25+s8] =	stream.linear.scatter [tilespmem:s5], [sflag:$0x4], $0x3400, $0x38;
	[tilespmem:$0x1BA00] =	vst v63  }
.Ltmp2:
0x104: {  	_ = 	snop;
	(pc) =	sbr.rel @p0 .LBB2_2-.Ltmp2, $4  }
0x105: {  	s28 =	sadd.s32 s7, s12  }
0x106: {  	[hbm4b:s28+s8] =	stream.linear.scatter [tilespmem:s2], [sflag:$0x4], $0x3400, $0x38;
	[tilespmem:$0x1BA00] =	vst v63  }
0x107: {  	s12 =	sadd.s32 s11, s12  }
0x108: {  	[hbm4b:s12+s8] =	stream.linear.scatter [tilespmem:s18], [sflag:$0x4], $0x3400, $0x38;
	[tilespmem:$0x1BA00] =	vst v63  }
0x109: {  	s12 =	simm.s32 $0x3  }
0x10a: {  	_ =	swait.ge [sflag:s12], $0x3400  }
0x10b: {  	[sflag:s12] =	ssyncset.done $0x0  }
0x10c: {  	[sflag:s12] =	ssyncadd.s32 $0xFFFFCC00  }
0x10d: {  	_ =	swait.ge [sflag:s12], $0x3400  }
0x10e: {  	[sflag:s12] =	ssyncset.done $0x0  }
0x10f: {  	[sflag:s12] =	ssyncadd.s32 $0xFFFFCC00  }
0x110: {  	_ =	swait.ge [sflag:s12], $0x3400  }
0x111: {  	[sflag:s12] =	ssyncset.done $0x0  }
0x112: {  	[sflag:s12] =	ssyncadd.s32 $0xFFFFCC00  }
0x113: {  	_ =	swait.ge [sflag:s20], $0x3400  }
0x114: {  	[sflag:s20] =	ssyncset.done $0x0  }
0x115: {  	[sflag:s20] =	ssyncadd.s32 $0xFFFFCC00  }
0x116: {  	_ =	swait.ge [sflag:s20], $0x3400  }
0x117: {  	[sflag:s20] =	ssyncset.done $0x0  }
0x118: {  	[sflag:s20] =	ssyncadd.s32 $0xFFFFCC00  }
0x119: {  	_ =	swait.ge [sflag:s20], $0x3400  }
0x11a: {  	s15 =	rddreg [dreg:$0xa]  }
0x11b: {  	s28 =	rddreg [dreg:$0x9];
	s15 =	sadd.s32 $0x1, s15  }
0x11c: {  	p0 =	sne.s32 s15, s28  }
.Ltmp3:
0x11d: {  	_ = 	snop;
	(pc) =	sbr.rel @p0 .LBB2_1-.Ltmp3, $3  }
0x11e: {  	_ =	sdelay $0x1  }
0x11f: {  	[sflag:s20] =	ssyncset.done $0x0  }
0x120: {  	[sflag:s20] =	ssyncadd.s32 $0xFFFFCC00  }
0x121: {  	_ =	sfence.sel $0x180000  }
0x122: {  	[bflag:$0x0] =	sbarrier.arrive $0xFFFF  }
0x123: {  	_ =	strace $0x90000047  }
0x124: {  	s0 =	stileid.u32;
	[bflag:$0x2] =	sbarrier.arrive $0xFFFF  }
0x125: {  	p0 =	sne.s32 s0, $0x0;
	s0 =	rddreg [dreg:$0x7]  }
0x126: {  	s0 =	sadd.s32 @!p0 $0x100000, s0  }
0x127: {  	[sflag:s0] =	ssyncadd.tile.s32 @!p0 $0x1;
	_ =	shalt  }
.Lfunc_end2:
_tile_overlayer_lowered:
.L_overlay_start_2:
0x128: {  	(tag) =	ssettag $0x2  }
0x129: {  	s0 =	rddreg [dreg:$0x0];
	s2 =	stileid.u32  }
0x12a: {  	s1 =	rddreg [dreg:$0x1];
	p0 =	sne.s32 s2, $0x0  }
0x12b: {  	s3 =	rddreg [dreg:$0x2];
	[bflag:$0x3] =	sbarrier.arrive $0xFFFF;
	s2 =	simm.s32 @!p0 $0x1C05  }
0x12c: {  	[timem:s3], [sflag:s2] =	dma.local @!p0 [hbm:s0], s1  }
0x12d: {  	s0 =	simm.s32 @!p0 $0x5  }
0x12e: {  	_ =	swait.ge @!p0 [sflag:s0], s1  }
0x12f: {  	s1 =	ssub.s32 @!p0 $0x0, s1;
	[sflag:s0] =	ssyncset.done @!p0 $0x0  }
0x130: {  	[sflag:s0] =	ssyncadd.s32 @!p0 s1  }
0x131: {  	[bflag:$0x3] =	sbarrier.arrive $0xFFFF  }
0x132: {  	_ =	shalt  }

</sc_bundles>
